<compile_context>
chip_gen: v7x
topology: tpu7x:2x2x1
jax: 0.10.2.dev20260603
libtpu: 0.0.44.dev20260713+nightly
codegen_flags: <defaults>
</compile_context>

<pallas_src>
import functools

import jax
import jax.numpy as jnp
from jax import lax
from jax.experimental import pallas as pl
from jax.experimental.pallas import tpu as pltpu
from jax.experimental.pallas import tpu_sc as plsc

EMBED = 192
TABLE_ROWS = 64 * 32
N = 128 * 2048
NC, NS, L = 2, 16, 16
NW = NC * NS
B_PER_W = N // NW
BLK = 128
NBLK = B_PER_W // BLK
NRING = 3
DEPTH = 2

_mesh = plsc.VectorSubcoreMesh(core_axis_name="c", subcore_axis_name="s")

_DNUMS = lax.GatherDimensionNumbers(
    offset_dims=(), collapsed_slice_dims=(0,), start_index_map=(0,))


def _take(v, idx):
    return lax.gather(v, idx[:, None], _DNUMS, (1,),
                      mode=lax.GatherScatterMode.PROMISE_IN_BOUNDS)


@functools.partial(
    pl.kernel,
    out_type=jax.ShapeDtypeStruct((N, EMBED), jnp.float32),
    mesh=_mesh,
    compiler_params=pltpu.CompilerParams(use_tc_tiling_on_sc=False),
    scratch_types=[
        pltpu.VMEM((2 * B_PER_W,), jnp.int32),
        pltpu.VMEM((NBLK, BLK), jnp.int32),
        pltpu.VMEM((NRING, BLK, EMBED), jnp.float32),
        pltpu.VMEM_SHARED((TABLE_ROWS, EMBED), jnp.float32),
        pltpu.SemaphoreType.DMA,
        pltpu.SemaphoreType.DMA,
        pltpu.SemaphoreType.DMA,
        pltpu.SemaphoreType.DMA,
        pltpu.SemaphoreType.DMA,
        pltpu.SemaphoreType.DMA,
        pltpu.SemaphoreType.DMA,
    ],
)
def _gather(coord_hbm, table_hbm, out_hbm, coords_v, idx_v, rows_v, table_sp,
            sem_c, sg0, sg1, sg2, so0, so1, so2):
    sem_g = (sg0, sg1, sg2)
    sem_o = (so0, so1, so2)
    sid = lax.axis_index("s")
    wid = sid * NC + lax.axis_index("c")
    base0 = wid * B_PER_W

    ccopy = pltpu.make_async_copy(
        coord_hbm.at[pl.ds(base0 * 2, 2 * B_PER_W)], coords_v, sem_c)
    ccopy.start()
    slab = TABLE_ROWS // NS
    pltpu.sync_copy(table_hbm.at[pl.ds(sid * slab, slab)],
                    rows_v.at[0, pl.ds(0, slab)])
    pltpu.sync_copy(rows_v.at[0, pl.ds(0, slab)],
                    table_sp.at[pl.ds(sid * slab, slab)])
    plsc.subcore_barrier()
    ccopy.wait()

    lanes = lax.iota(jnp.int32, L)
    evens = (lanes * 2) % L
    lo = lanes < (L // 2)

    def degroup(it, carry):
        for u in range(8):
            g = it * 8 + u
            a = coords_v[pl.ds(2 * L * g, L)]
            b = coords_v[pl.ds(2 * L * g + L, L)]
            c0 = jnp.where(lo, _take(a, evens), _take(b, evens))
            c1 = jnp.where(lo, _take(a, evens + 1), _take(b, evens + 1))
            idx_v[it, pl.ds(u * L, L)] = c0 * 32 + c1
        return carry

    lax.fori_loop(0, (B_PER_W // L) // 8, degroup, 0)

    def gat(i, b):
        return pltpu.make_async_copy(
            table_sp.at[idx_v.at[i]], rows_v.at[b], sem_g[b])

    def put(i, b):
        return pltpu.make_async_copy(
            rows_v.at[b], out_hbm.at[pl.ds(base0 + i * BLK, BLK)], sem_o[b])

    def step(i, im, first, last):
        bwf = (im + DEPTH) % NRING
        if not first:
            put(i + DEPTH - NRING, bwf).wait()
        if not last:
            pass
        put(i, im).start()

    step(0, 0, True, False)
    step(1, 1, False, False)

    def triple(it, carry):
        i0 = 2 + it * NRING
        for u in range(NRING):
            step(i0 + u, (2 + u) % NRING, False, False)
        return carry

    lax.fori_loop(0, (NBLK - DEPTH - 2) // NRING, triple, 0)

    for i in range(NBLK - DEPTH, NBLK):
        step(i, i % NRING, False, True)
    put(NBLK - 1, (NBLK - 1) % NRING).wait()


def kernel(coord_idx, position):
    coords = coord_idx.reshape(-1)
    table = position.reshape(TABLE_ROWS, EMBED)
    return _gather(coords, table)

# --- scband reference (transcript-rebuilt; emitter-appended) ---
"""Pipeline reference for scband-trainable-positional-encoding-82463372083978 (READ-ONLY COPY).

The authoritative reference and input builder live on the scoring server;
editing this copy changes nothing except your own understanding.
"""

import jax, jax.numpy as jnp
import numpy as np

EMBED_DIM = 192
NUM_PATCHES_H = 32 * 2  # module doubles num_patches_h internally
NUM_PATCHES_W = 32


def setup_inputs(seed: int = 0) -> dict:
    key = jax.random.key(seed)
    k1, k2 = jax.random.split(key)
    # coord_idx: [..., 2] integer coordinates, col0 < NUM_PATCHES_H, col1 < NUM_PATCHES_W
    coord_idx = jax.random.randint(k1, (128, 2048, 2), 0, 32, dtype=jnp.int32)
    # learned positional embedding table (trunc_normal std=0.02 approximated by normal*0.02)
    position = jax.random.normal(k2, (NUM_PATCHES_H, NUM_PATCHES_W, EMBED_DIM), dtype=jnp.float32) * 0.02
    return {"coord_idx": coord_idx, "position": position}


def reference(coord_idx, position):
    ci = coord_idx.reshape(-1, 2)
    # advanced indexing over first two dims: gather -> [N, embed_dim]
    out = position[ci[:, 0], ci[:, 1]]
    return out

if __name__ == "__main__":
    import jax
    _d = setup_inputs()
    print(jax.jit(kernel)(*tuple(_d.values())))

</pallas_src>

<mosaic_0001>
#map = affine_map<(d0, d1) -> (0)>
#map1 = affine_map<(d0, d1) -> (0, 0)>
module attributes {stable_mosaic.version = 14 : i64} {
  func.func @_gather(%arg0: i32, %arg1: i32, %arg2: memref<524288xi32, #tpu.memory_space<hbm>>, %arg3: memref<2048x192xf32, #tpu.memory_space<hbm>>, %arg4: memref<262144x192xf32, #tpu.memory_space<hbm>>, %arg5: memref<16384xi32, #tpu.memory_space<vmem>>, %arg6: memref<64x128xi32, #tpu.memory_space<vmem>>, %arg7: memref<3x128x192xf32, #tpu.memory_space<vmem>>, %arg8: memref<2048x192xf32, #tpu.memory_space<vmem_shared>>, %arg9: memref<!tpu.dma_semaphore, #tpu.memory_space<semaphore_mem>>, %arg10: memref<!tpu.dma_semaphore, #tpu.memory_space<semaphore_mem>>, %arg11: memref<!tpu.dma_semaphore, #tpu.memory_space<semaphore_mem>>, %arg12: memref<!tpu.dma_semaphore, #tpu.memory_space<semaphore_mem>>, %arg13: memref<!tpu.dma_semaphore, #tpu.memory_space<semaphore_mem>>, %arg14: memref<!tpu.dma_semaphore, #tpu.memory_space<semaphore_mem>>, %arg15: memref<!tpu.dma_semaphore, #tpu.memory_space<semaphore_mem>>) attributes {dimension_semantics = [#tpu.dimension_semantics<core_parallel>, #tpu.dimension_semantics<subcore_parallel>], iteration_bounds = array<i64: 2, 16>, scalar_prefetch = 0 : i64, scratch_operands = 11 : i64, tpu.core_type = #tpu.core_type<sc_vector_subcore>, window_params = [{transform_indices = #map}, {transform_indices = #map1}, {transform_indices = #map1}]} {
    %mul3A = arith.constant 2 : i32
    %mul3A_0 = arith.muli %arg1, %mul3A : i32
    %add3A = arith.addi %mul3A_0, %arg0 : i32
    %mul3A_1 = arith.constant 8192 : i32
    %mul3A_2 = arith.muli %add3A, %mul3A_1 : i32
    %mul3A_3 = arith.constant 2 : i32
    %mul3A_4 = arith.muli %mul3A_2, %mul3A_3 : i32
    %dma_start3A = tpu.memref_slice %arg2[%mul3A_4] : memref<524288xi32, #tpu.memory_space<hbm>> -> memref<16384xi32, #tpu.memory_space<hbm>>
    %dma_start3A_5 = tpu.memref_slice %arg2[%mul3A_4] : memref<524288xi32, #tpu.memory_space<hbm>> -> memref<16384xi32, #tpu.memory_space<hbm>>
    tpu.enqueue_dma source(%dma_start3A_5 : memref<16384xi32, #tpu.memory_space<hbm>>) target(%arg5 : memref<16384xi32, #tpu.memory_space<vmem>>) target_semaphore(%arg9 : memref<!tpu.dma_semaphore, #tpu.memory_space<semaphore_mem>>)
    %mul3A_6 = arith.constant 128 : i32
    %mul3A_7 = arith.muli %arg1, %mul3A_6 : i32
    %run_scoped3A = arith.constant 0 : i32
    "tpu.region"() ({
      %run_scoped3A_164 = tpu.sem_alloc : memref<!tpu.dma_semaphore, #tpu.memory_space<semaphore_mem>>
      %dma_start3A_165 = arith.constant 0 : i32
      %dma_start3A_166 = arith.constant 0 : i32
      %dma_start3A_167 = tpu.memref_slice %arg7[%run_scoped3A, %dma_start3A_165, %dma_start3A_166] : memref<3x128x192xf32, #tpu.memory_space<vmem>> -> memref<1x128x192xf32, #tpu.memory_space<vmem>>
      %dma_start3A_168 = tpu.memref_squeeze %dma_start3A_167 : memref<1x128x192xf32, #tpu.memory_space<vmem>> -> memref<128x192xf32, #tpu.memory_space<vmem>>
      %dma_start3A_169 = arith.constant 0 : i32
      %dma_start3A_170 = tpu.memref_slice %arg3[%mul3A_7, %dma_start3A_169] : memref<2048x192xf32, #tpu.memory_space<hbm>> -> memref<128x192xf32, #tpu.memory_space<hbm>>
      %dma_start3A_171 = arith.constant 0 : i32
      %dma_start3A_172 = arith.constant 0 : i32
      %dma_start3A_173 = tpu.memref_slice %arg7[%run_scoped3A, %dma_start3A_171, %dma_start3A_172] : memref<3x128x192xf32, #tpu.memory_space<vmem>> -> memref<1x128x192xf32, #tpu.memory_space<vmem>>
      %dma_start3A_174 = tpu.memref_squeeze %dma_start3A_173 : memref<1x128x192xf32, #tpu.memory_space<vmem>> -> memref<128x192xf32, #tpu.memory_space<vmem>>
      %dma_start3A_175 = arith.constant 0 : i32
      %dma_start3A_176 = tpu.memref_slice %arg3[%mul3A_7, %dma_start3A_175] : memref<2048x192xf32, #tpu.memory_space<hbm>> -> memref<128x192xf32, #tpu.memory_space<hbm>>
      tpu.enqueue_dma source(%dma_start3A_176 : memref<128x192xf32, #tpu.memory_space<hbm>>) target(%dma_start3A_174 : memref<128x192xf32, #tpu.memory_space<vmem>>) target_semaphore(%run_scoped3A_164 : memref<!tpu.dma_semaphore, #tpu.memory_space<semaphore_mem>>)
      %dma_wait3A_177 = arith.constant 0 : i32
      %dma_wait3A_178 = arith.constant 0 : i32
      %dma_wait3A_179 = tpu.memref_slice %arg7[%run_scoped3A, %dma_wait3A_177, %dma_wait3A_178] : memref<3x128x192xf32, #tpu.memory_space<vmem>> -> memref<1x128x192xf32, #tpu.memory_space<vmem>>
      %dma_wait3A_180 = tpu.memref_squeeze %dma_wait3A_179 : memref<1x128x192xf32, #tpu.memory_space<vmem>> -> memref<128x192xf32, #tpu.memory_space<vmem>>
      %dma_wait3A_181 = arith.constant 0 : i32
      %dma_wait3A_182 = tpu.memref_slice %arg3[%mul3A_7, %dma_wait3A_181] : memref<2048x192xf32, #tpu.memory_space<hbm>> -> memref<128x192xf32, #tpu.memory_space<hbm>>
      %dma_wait3A_183 = arith.constant 0 : i32
      %dma_wait3A_184 = arith.constant 0 : i32
      %dma_wait3A_185 = tpu.memref_slice %arg7[%run_scoped3A, %dma_wait3A_183, %dma_wait3A_184] : memref<3x128x192xf32, #tpu.memory_space<vmem>> -> memref<1x128x192xf32, #tpu.memory_space<vmem>>
      %dma_wait3A_186 = tpu.memref_squeeze %dma_wait3A_185 : memref<1x128x192xf32, #tpu.memory_space<vmem>> -> memref<128x192xf32, #tpu.memory_space<vmem>>
      %dma_wait3A_187 = arith.constant 0 : i32
      %dma_wait3A_188 = tpu.memref_slice %arg3[%mul3A_7, %dma_wait3A_187] : memref<2048x192xf32, #tpu.memory_space<hbm>> -> memref<128x192xf32, #tpu.memory_space<hbm>>
      tpu.wait_dma2 semaphore(%run_scoped3A_164 : memref<!tpu.dma_semaphore, #tpu.memory_space<semaphore_mem>>) src(%dma_wait3A_188 : memref<128x192xf32, #tpu.memory_space<hbm>>) dst(%dma_wait3A_186 : memref<128x192xf32, #tpu.memory_space<vmem>>)
      tpu.yield
    }) : () -> ()
    %mul3A_8 = arith.constant 128 : i32
    %mul3A_9 = arith.muli %arg1, %mul3A_8 : i32
    %run_scoped3A_10 = arith.constant 0 : i32
    "tpu.region"() ({
      %run_scoped3A_164 = tpu.sem_alloc : memref<!tpu.dma_semaphore, #tpu.memory_space<semaphore_mem>>
      %dma_start3A_165 = arith.constant 0 : i32
      %dma_start3A_166 = arith.constant 0 : i32
      %dma_start3A_167 = tpu.memref_slice %arg7[%run_scoped3A_10, %dma_start3A_165, %dma_start3A_166] : memref<3x128x192xf32, #tpu.memory_space<vmem>> -> memref<1x128x192xf32, #tpu.memory_space<vmem>>
      %dma_start3A_168 = tpu.memref_squeeze %dma_start3A_167 : memref<1x128x192xf32, #tpu.memory_space<vmem>> -> memref<128x192xf32, #tpu.memory_space<vmem>>
      %dma_start3A_169 = arith.constant 0 : i32
      %dma_start3A_170 = tpu.memref_slice %arg8[%mul3A_9, %dma_start3A_169] : memref<2048x192xf32, #tpu.memory_space<vmem_shared>> -> memref<128x192xf32, #tpu.memory_space<vmem_shared>>
      %dma_start3A_171 = arith.constant 0 : i32
      %dma_start3A_172 = tpu.memref_slice %arg8[%mul3A_9, %dma_start3A_171] : memref<2048x192xf32, #tpu.memory_space<vmem_shared>> -> memref<128x192xf32, #tpu.memory_space<vmem_shared>>
      %dma_start3A_173 = arith.constant 0 : i32
      %dma_start3A_174 = arith.constant 0 : i32
      %dma_start3A_175 = tpu.memref_slice %arg7[%run_scoped3A_10, %dma_start3A_173, %dma_start3A_174] : memref<3x128x192xf32, #tpu.memory_space<vmem>> -> memref<1x128x192xf32, #tpu.memory_space<vmem>>
      %dma_start3A_176 = tpu.memref_squeeze %dma_start3A_175 : memref<1x128x192xf32, #tpu.memory_space<vmem>> -> memref<128x192xf32, #tpu.memory_space<vmem>>
      tpu.enqueue_dma source(%dma_start3A_176 : memref<128x192xf32, #tpu.memory_space<vmem>>) target(%dma_start3A_172 : memref<128x192xf32, #tpu.memory_space<vmem_shared>>) target_semaphore(%run_scoped3A_164 : memref<!tpu.dma_semaphore, #tpu.memory_space<semaphore_mem>>)
      %dma_wait3A_177 = arith.constant 0 : i32
      %dma_wait3A_178 = arith.constant 0 : i32
      %dma_wait3A_179 = tpu.memref_slice %arg7[%run_scoped3A_10, %dma_wait3A_177, %dma_wait3A_178] : memref<3x128x192xf32, #tpu.memory_space<vmem>> -> memref<1x128x192xf32, #tpu.memory_space<vmem>>
      %dma_wait3A_180 = tpu.memref_squeeze %dma_wait3A_179 : memref<1x128x192xf32, #tpu.memory_space<vmem>> -> memref<128x192xf32, #tpu.memory_space<vmem>>
      %dma_wait3A_181 = arith.constant 0 : i32
      %dma_wait3A_182 = tpu.memref_slice %arg8[%mul3A_9, %dma_wait3A_181] : memref<2048x192xf32, #tpu.memory_space<vmem_shared>> -> memref<128x192xf32, #tpu.memory_space<vmem_shared>>
      %dma_wait3A_183 = arith.constant 0 : i32
      %dma_wait3A_184 = tpu.memref_slice %arg8[%mul3A_9, %dma_wait3A_183] : memref<2048x192xf32, #tpu.memory_space<vmem_shared>> -> memref<128x192xf32, #tpu.memory_space<vmem_shared>>
      %dma_wait3A_185 = arith.constant 0 : i32
      %dma_wait3A_186 = arith.constant 0 : i32
      %dma_wait3A_187 = tpu.memref_slice %arg7[%run_scoped3A_10, %dma_wait3A_185, %dma_wait3A_186] : memref<3x128x192xf32, #tpu.memory_space<vmem>> -> memref<1x128x192xf32, #tpu.memory_space<vmem>>
      %dma_wait3A_188 = tpu.memref_squeeze %dma_wait3A_187 : memref<1x128x192xf32, #tpu.memory_space<vmem>> -> memref<128x192xf32, #tpu.memory_space<vmem>>
      tpu.wait_dma2 semaphore(%run_scoped3A_164 : memref<!tpu.dma_semaphore, #tpu.memory_space<semaphore_mem>>) src(%dma_wait3A_188 : memref<128x192xf32, #tpu.memory_space<vmem>>) dst(%dma_wait3A_184 : memref<128x192xf32, #tpu.memory_space<vmem_shared>>)
      tpu.yield
    }) : () -> ()
    %barrier3A = arith.constant 0 : index
    tpu.barrier barrier_id(%barrier3A)
    %dma_wait3A = tpu.memref_slice %arg2[%mul3A_4] : memref<524288xi32, #tpu.memory_space<hbm>> -> memref<16384xi32, #tpu.memory_space<hbm>>
    %dma_wait3A_11 = tpu.memref_slice %arg2[%mul3A_4] : memref<524288xi32, #tpu.memory_space<hbm>> -> memref<16384xi32, #tpu.memory_space<hbm>>
    tpu.wait_dma2 semaphore(%arg9 : memref<!tpu.dma_semaphore, #tpu.memory_space<semaphore_mem>>) src(%dma_wait3A_11 : memref<16384xi32, #tpu.memory_space<hbm>>) dst(%arg5 : memref<16384xi32, #tpu.memory_space<vmem>>)
    %iota3A = tpu.iota {dimensions = array<i32: 0>} : vector<16xi32>
    %mul3A_12 = arith.constant 2 : i32
    %mul3A_13 = vector.broadcast %mul3A_12 : i32 to vector<16xi32>
    %mul3A_14 = arith.muli %iota3A, %mul3A_13 : vector<16xi32>
    %jit3A = arith.constant 16 : i32
    %eq3A = arith.constant 0 : i32
    %eq3A_15 = arith.cmpi eq, %jit3A, %eq3A : i32
    %jit3A_16 = arith.constant 1 : i32
    %select_n3A = arith.select %eq3A_15, %jit3A_16, %jit3A : i32
    %rem3A = vector.broadcast %select_n3A : i32 to vector<16xi32>
    %rem3A_17 = arith.remsi %mul3A_14, %rem3A : vector<16xi32>
    %ne3A = arith.constant 0 : i32
    %ne3A_18 = vector.broadcast %ne3A : i32 to vector<16xi32>
    %ne3A_19 = arith.cmpi ne, %rem3A_17, %ne3A_18 : vector<16xi32>
    %lt3A = arith.constant 0 : i32
    %lt3A_20 = vector.broadcast %lt3A : i32 to vector<16xi32>
    %lt3A_21 = arith.cmpi slt, %rem3A_17, %lt3A_20 : vector<16xi32>
    %lt3A_22 = arith.constant 0 : i32
    %lt3A_23 = arith.cmpi slt, %select_n3A, %lt3A_22 : i32
    %ne3A_24 = vector.broadcast %lt3A_23 : i1 to vector<16xi1>
    %ne3A_25 = vector.broadcast %ne3A_24 : vector<16xi1> to vector<16xi1>
    %ne3A_26 = arith.xori %lt3A_21, %ne3A_25 : vector<16xi1>
    %and3A = arith.andi %ne3A_26, %ne3A_19 : vector<16xi1>
    %add3A_27 = vector.broadcast %select_n3A : i32 to vector<16xi32>
    %add3A_28 = arith.addi %rem3A_17, %add3A_27 : vector<16xi32>
    %select_n3A_29 = arith.select %and3A, %add3A_28, %rem3A_17 : vector<16xi1>, vector<16xi32>
    %lt3A_30 = arith.constant 8 : i32
    %lt3A_31 = vector.broadcast %lt3A_30 : i32 to vector<16xi32>
    %lt3A_32 = arith.cmpi slt, %iota3A, %lt3A_31 : vector<16xi32>
    %scan3A = arith.constant 0 : i32
    %scan3A_33 = arith.constant 0 : i32
    %scan3A_34 = arith.constant 64 : i32
    %scan3A_35 = arith.addi %scan3A_33, %scan3A_34 : i32
    %scan3A_36 = arith.constant 1 : i32
    scf.for %scan3A_164 = %scan3A_33 to %scan3A_35 step %scan3A_36  : i32 {
      %mul3A_165 = arith.constant 8 : i32
      %mul3A_166 = arith.muli %scan3A_164, %mul3A_165 : i32
      %add3A_167 = arith.constant 0 : i32
      %add3A_168 = arith.addi %mul3A_166, %add3A_167 : i32
      %mul3A_169 = arith.constant 32 : i32
      %mul3A_170 = arith.muli %mul3A_169, %add3A_168 : i32
      %get3A = arith.index_cast %mul3A_170 : i32 to index
      %get3A_171 = tpu.vector_load %arg5[%get3A] {strides = array<i32>} : memref<16384xi32, #tpu.memory_space<vmem>>, vector<16xi32>,
      %get3A_172 = vector.shape_cast %get3A_171 : vector<16xi32> to vector<16xi32>
      %mul3A_173 = arith.constant 32 : i32
      %mul3A_174 = arith.muli %mul3A_173, %add3A_168 : i32
      %add3A_175 = arith.constant 16 : i32
      %add3A_176 = arith.addi %mul3A_174, %add3A_175 : i32
      %get3A_177 = arith.index_cast %add3A_176 : i32 to index
      %get3A_178 = tpu.vector_load %arg5[%get3A_177] {strides = array<i32>} : memref<16384xi32, #tpu.memory_space<vmem>>, vector<16xi32>,
      %get3A_179 = vector.shape_cast %get3A_178 : vector<16xi32> to vector<16xi32>
      %broadcast_in_dim3A = vector.shape_cast %select_n3A_29 : vector<16xi32> to vector<16x1xi32>
      %gather3A = vector.shape_cast %broadcast_in_dim3A : vector<16x1xi32> to vector<16xi32>
      %gather3A_180 = tpu.dynamic_gather %get3A_172[%gather3A] in [0] : vector<16xi32>, vector<16xi32> -> vector<16xi32>
      %broadcast_in_dim3A_181 = vector.shape_cast %select_n3A_29 : vector<16xi32> to vector<16x1xi32>
      %gather3A_182 = vector.shape_cast %broadcast_in_dim3A_181 : vector<16x1xi32> to vector<16xi32>
      %gather3A_183 = tpu.dynamic_gather %get3A_179[%gather3A_182] in [0] : vector<16xi32>, vector<16xi32> -> vector<16xi32>
      %select_n3A_184 = arith.select %lt3A_32, %gather3A_180, %gather3A_183 : vector<16xi1>, vector<16xi32>
      %add3A_185 = arith.constant 1 : i32
      %add3A_186 = vector.broadcast %add3A_185 : i32 to vector<16xi32>
      %add3A_187 = arith.addi %select_n3A_29, %add3A_186 : vector<16xi32>
      %broadcast_in_dim3A_188 = vector.shape_cast %add3A_187 : vector<16xi32> to vector<16x1xi32>
      %gather3A_189 = vector.shape_cast %broadcast_in_dim3A_188 : vector<16x1xi32> to vector<16xi32>
      %gather3A_190 = tpu.dynamic_gather %get3A_172[%gather3A_189] in [0] : vector<16xi32>, vector<16xi32> -> vector<16xi32>
      %add3A_191 = arith.constant 1 : i32
      %add3A_192 = vector.broadcast %add3A_191 : i32 to vector<16xi32>
      %add3A_193 = arith.addi %select_n3A_29, %add3A_192 : vector<16xi32>
      %broadcast_in_dim3A_194 = vector.shape_cast %add3A_193 : vector<16xi32> to vector<16x1xi32>
      %gather3A_195 = vector.shape_cast %broadcast_in_dim3A_194 : vector<16x1xi32> to vector<16xi32>
      %gather3A_196 = tpu.dynamic_gather %get3A_179[%gather3A_195] in [0] : vector<16xi32>, vector<16xi32> -> vector<16xi32>
      %select_n3A_197 = arith.select %lt3A_32, %gather3A_190, %gather3A_196 : vector<16xi1>, vector<16xi32>
      %mul3A_198 = arith.constant 32 : i32
      %mul3A_199 = vector.broadcast %mul3A_198 : i32 to vector<16xi32>
      %mul3A_200 = arith.muli %select_n3A_184, %mul3A_199 : vector<16xi32>
      %add3A_201 = arith.addi %mul3A_200, %select_n3A_197 : vector<16xi32>
      %swap3A = arith.index_cast %scan3A_164 : i32 to index
      %swap3A_202 = arith.constant 0 : index
      %swap3A_203 = tpu.vector_load %arg6[%swap3A, %swap3A_202] {strides = array<i32>} : memref<64x128xi32, #tpu.memory_space<vmem>>, vector<1x16xi32>,
      %swap3A_204 = vector.shape_cast %swap3A_203 : vector<1x16xi32> to vector<16xi32>
      %swap3A_205 = vector.shape_cast %add3A_201 : vector<16xi32> to vector<1x16xi32>
      tpu.vector_store %arg6[%swap3A, %swap3A_202], %swap3A_205 {strides = array<i32>} : memref<64x128xi32, #tpu.memory_space<vmem>>, vector<1x16xi32>,
      %mul3A_206 = arith.constant 8 : i32
      %mul3A_207 = arith.muli %scan3A_164, %mul3A_206 : i32
      %add3A_208 = arith.constant 1 : i32
      %add3A_209 = arith.addi %mul3A_207, %add3A_208 : i32
      %mul3A_210 = arith.constant 32 : i32
      %mul3A_211 = arith.muli %mul3A_210, %add3A_209 : i32
      %get3A_212 = arith.index_cast %mul3A_211 : i32 to index
      %get3A_213 = tpu.vector_load %arg5[%get3A_212] {strides = array<i32>} : memref<16384xi32, #tpu.memory_space<vmem>>, vector<16xi32>,
      %get3A_214 = vector.shape_cast %get3A_213 : vector<16xi32> to vector<16xi32>
      %mul3A_215 = arith.constant 32 : i32
      %mul3A_216 = arith.muli %mul3A_215, %add3A_209 : i32
      %add3A_217 = arith.constant 16 : i32
      %add3A_218 = arith.addi %mul3A_216, %add3A_217 : i32
      %get3A_219 = arith.index_cast %add3A_218 : i32 to index
      %get3A_220 = tpu.vector_load %arg5[%get3A_219] {strides = array<i32>} : memref<16384xi32, #tpu.memory_space<vmem>>, vector<16xi32>,
      %get3A_221 = vector.shape_cast %get3A_220 : vector<16xi32> to vector<16xi32>
      %broadcast_in_dim3A_222 = vector.shape_cast %select_n3A_29 : vector<16xi32> to vector<16x1xi32>
      %gather3A_223 = vector.shape_cast %broadcast_in_dim3A_222 : vector<16x1xi32> to vector<16xi32>
      %gather3A_224 = tpu.dynamic_gather %get3A_214[%gather3A_223] in [0] : vector<16xi32>, vector<16xi32> -> vector<16xi32>
      %broadcast_in_dim3A_225 = vector.shape_cast %select_n3A_29 : vector<16xi32> to vector<16x1xi32>
      %gather3A_226 = vector.shape_cast %broadcast_in_dim3A_225 : vector<16x1xi32> to vector<16xi32>
      %gather3A_227 = tpu.dynamic_gather %get3A_221[%gather3A_226] in [0] : vector<16xi32>, vector<16xi32> -> vector<16xi32>
      %select_n3A_228 = arith.select %lt3A_32, %gather3A_224, %gather3A_227 : vector<16xi1>, vector<16xi32>
      %add3A_229 = arith.constant 1 : i32
      %add3A_230 = vector.broadcast %add3A_229 : i32 to vector<16xi32>
      %add3A_231 = arith.addi %select_n3A_29, %add3A_230 : vector<16xi32>
      %broadcast_in_dim3A_232 = vector.shape_cast %add3A_231 : vector<16xi32> to vector<16x1xi32>
      %gather3A_233 = vector.shape_cast %broadcast_in_dim3A_232 : vector<16x1xi32> to vector<16xi32>
      %gather3A_234 = tpu.dynamic_gather %get3A_214[%gather3A_233] in [0] : vector<16xi32>, vector<16xi32> -> vector<16xi32>
      %add3A_235 = arith.constant 1 : i32
      %add3A_236 = vector.broadcast %add3A_235 : i32 to vector<16xi32>
      %add3A_237 = arith.addi %select_n3A_29, %add3A_236 : vector<16xi32>
      %broadcast_in_dim3A_238 = vector.shape_cast %add3A_237 : vector<16xi32> to vector<16x1xi32>
      %gather3A_239 = vector.shape_cast %broadcast_in_dim3A_238 : vector<16x1xi32> to vector<16xi32>
      %gather3A_240 = tpu.dynamic_gather %get3A_221[%gather3A_239] in [0] : vector<16xi32>, vector<16xi32> -> vector<16xi32>
      %select_n3A_241 = arith.select %lt3A_32, %gather3A_234, %gather3A_240 : vector<16xi1>, vector<16xi32>
      %mul3A_242 = arith.constant 32 : i32
      %mul3A_243 = vector.broadcast %mul3A_242 : i32 to vector<16xi32>
      %mul3A_244 = arith.muli %select_n3A_228, %mul3A_243 : vector<16xi32>
      %add3A_245 = arith.addi %mul3A_244, %select_n3A_241 : vector<16xi32>
      %swap3A_246 = arith.index_cast %scan3A_164 : i32 to index
      %swap3A_247 = arith.constant 16 : index
      %swap3A_248 = tpu.vector_load %arg6[%swap3A_246, %swap3A_247] {strides = array<i32>} : memref<64x128xi32, #tpu.memory_space<vmem>>, vector<1x16xi32>,
      %swap3A_249 = vector.shape_cast %swap3A_248 : vector<1x16xi32> to vector<16xi32>
      %swap3A_250 = vector.shape_cast %add3A_245 : vector<16xi32> to vector<1x16xi32>
      tpu.vector_store %arg6[%swap3A_246, %swap3A_247], %swap3A_250 {strides = array<i32>} : memref<64x128xi32, #tpu.memory_space<vmem>>, vector<1x16xi32>,
      %mul3A_251 = arith.constant 8 : i32
      %mul3A_252 = arith.muli %scan3A_164, %mul3A_251 : i32
      %add3A_253 = arith.constant 2 : i32
      %add3A_254 = arith.addi %mul3A_252, %add3A_253 : i32
      %mul3A_255 = arith.constant 32 : i32
      %mul3A_256 = arith.muli %mul3A_255, %add3A_254 : i32
      %get3A_257 = arith.index_cast %mul3A_256 : i32 to index
      %get3A_258 = tpu.vector_load %arg5[%get3A_257] {strides = array<i32>} : memref<16384xi32, #tpu.memory_space<vmem>>, vector<16xi32>,
      %get3A_259 = vector.shape_cast %get3A_258 : vector<16xi32> to vector<16xi32>
      %mul3A_260 = arith.constant 32 : i32
      %mul3A_261 = arith.muli %mul3A_260, %add3A_254 : i32
      %add3A_262 = arith.constant 16 : i32
      %add3A_263 = arith.addi %mul3A_261, %add3A_262 : i32
      %get3A_264 = arith.index_cast %add3A_263 : i32 to index
      %get3A_265 = tpu.vector_load %arg5[%get3A_264] {strides = array<i32>} : memref<16384xi32, #tpu.memory_space<vmem>>, vector<16xi32>,
      %get3A_266 = vector.shape_cast %get3A_265 : vector<16xi32> to vector<16xi32>
      %broadcast_in_dim3A_267 = vector.shape_cast %select_n3A_29 : vector<16xi32> to vector<16x1xi32>
      %gather3A_268 = vector.shape_cast %broadcast_in_dim3A_267 : vector<16x1xi32> to vector<16xi32>
      %gather3A_269 = tpu.dynamic_gather %get3A_259[%gather3A_268] in [0] : vector<16xi32>, vector<16xi32> -> vector<16xi32>
      %broadcast_in_dim3A_270 = vector.shape_cast %select_n3A_29 : vector<16xi32> to vector<16x1xi32>
      %gather3A_271 = vector.shape_cast %broadcast_in_dim3A_270 : vector<16x1xi32> to vector<16xi32>
      %gather3A_272 = tpu.dynamic_gather %get3A_266[%gather3A_271] in [0] : vector<16xi32>, vector<16xi32> -> vector<16xi32>
      %select_n3A_273 = arith.select %lt3A_32, %gather3A_269, %gather3A_272 : vector<16xi1>, vector<16xi32>
      %add3A_274 = arith.constant 1 : i32
      %add3A_275 = vector.broadcast %add3A_274 : i32 to vector<16xi32>
      %add3A_276 = arith.addi %select_n3A_29, %add3A_275 : vector<16xi32>
      %broadcast_in_dim3A_277 = vector.shape_cast %add3A_276 : vector<16xi32> to vector<16x1xi32>
      %gather3A_278 = vector.shape_cast %broadcast_in_dim3A_277 : vector<16x1xi32> to vector<16xi32>
      %gather3A_279 = tpu.dynamic_gather %get3A_259[%gather3A_278] in [0] : vector<16xi32>, vector<16xi32> -> vector<16xi32>
      %add3A_280 = arith.constant 1 : i32
      %add3A_281 = vector.broadcast %add3A_280 : i32 to vector<16xi32>
      %add3A_282 = arith.addi %select_n3A_29, %add3A_281 : vector<16xi32>
      %broadcast_in_dim3A_283 = vector.shape_cast %add3A_282 : vector<16xi32> to vector<16x1xi32>
      %gather3A_284 = vector.shape_cast %broadcast_in_dim3A_283 : vector<16x1xi32> to vector<16xi32>
      %gather3A_285 = tpu.dynamic_gather %get3A_266[%gather3A_284] in [0] : vector<16xi32>, vector<16xi32> -> vector<16xi32>
      %select_n3A_286 = arith.select %lt3A_32, %gather3A_279, %gather3A_285 : vector<16xi1>, vector<16xi32>
      %mul3A_287 = arith.constant 32 : i32
      %mul3A_288 = vector.broadcast %mul3A_287 : i32 to vector<16xi32>
      %mul3A_289 = arith.muli %select_n3A_273, %mul3A_288 : vector<16xi32>
      %add3A_290 = arith.addi %mul3A_289, %select_n3A_286 : vector<16xi32>
      %swap3A_291 = arith.index_cast %scan3A_164 : i32 to index
      %swap3A_292 = arith.constant 32 : index
      %swap3A_293 = tpu.vector_load %arg6[%swap3A_291, %swap3A_292] {strides = array<i32>} : memref<64x128xi32, #tpu.memory_space<vmem>>, vector<1x16xi32>,
      %swap3A_294 = vector.shape_cast %swap3A_293 : vector<1x16xi32> to vector<16xi32>
      %swap3A_295 = vector.shape_cast %add3A_290 : vector<16xi32> to vector<1x16xi32>
      tpu.vector_store %arg6[%swap3A_291, %swap3A_292], %swap3A_295 {strides = array<i32>} : memref<64x128xi32, #tpu.memory_space<vmem>>, vector<1x16xi32>,
      %mul3A_296 = arith.constant 8 : i32
      %mul3A_297 = arith.muli %scan3A_164, %mul3A_296 : i32
      %add3A_298 = arith.constant 3 : i32
      %add3A_299 = arith.addi %mul3A_297, %add3A_298 : i32
      %mul3A_300 = arith.constant 32 : i32
      %mul3A_301 = arith.muli %mul3A_300, %add3A_299 : i32
      %get3A_302 = arith.index_cast %mul3A_301 : i32 to index
      %get3A_303 = tpu.vector_load %arg5[%get3A_302] {strides = array<i32>} : memref<16384xi32, #tpu.memory_space<vmem>>, vector<16xi32>,
      %get3A_304 = vector.shape_cast %get3A_303 : vector<16xi32> to vector<16xi32>
      %mul3A_305 = arith.constant 32 : i32
      %mul3A_306 = arith.muli %mul3A_305, %add3A_299 : i32
      %add3A_307 = arith.constant 16 : i32
      %add3A_308 = arith.addi %mul3A_306, %add3A_307 : i32
      %get3A_309 = arith.index_cast %add3A_308 : i32 to index
      %get3A_310 = tpu.vector_load %arg5[%get3A_309] {strides = array<i32>} : memref<16384xi32, #tpu.memory_space<vmem>>, vector<16xi32>,
      %get3A_311 = vector.shape_cast %get3A_310 : vector<16xi32> to vector<16xi32>
      %broadcast_in_dim3A_312 = vector.shape_cast %select_n3A_29 : vector<16xi32> to vector<16x1xi32>
      %gather3A_313 = vector.shape_cast %broadcast_in_dim3A_312 : vector<16x1xi32> to vector<16xi32>
      %gather3A_314 = tpu.dynamic_gather %get3A_304[%gather3A_313] in [0] : vector<16xi32>, vector<16xi32> -> vector<16xi32>
      %broadcast_in_dim3A_315 = vector.shape_cast %select_n3A_29 : vector<16xi32> to vector<16x1xi32>
      %gather3A_316 = vector.shape_cast %broadcast_in_dim3A_315 : vector<16x1xi32> to vector<16xi32>
      %gather3A_317 = tpu.dynamic_gather %get3A_311[%gather3A_316] in [0] : vector<16xi32>, vector<16xi32> -> vector<16xi32>
      %select_n3A_318 = arith.select %lt3A_32, %gather3A_314, %gather3A_317 : vector<16xi1>, vector<16xi32>
      %add3A_319 = arith.constant 1 : i32
      %add3A_320 = vector.broadcast %add3A_319 : i32 to vector<16xi32>
      %add3A_321 = arith.addi %select_n3A_29, %add3A_320 : vector<16xi32>
      %broadcast_in_dim3A_322 = vector.shape_cast %add3A_321 : vector<16xi32> to vector<16x1xi32>
      %gather3A_323 = vector.shape_cast %broadcast_in_dim3A_322 : vector<16x1xi32> to vector<16xi32>
      %gather3A_324 = tpu.dynamic_gather %get3A_304[%gather3A_323] in [0] : vector<16xi32>, vector<16xi32> -> vector<16xi32>
      %add3A_325 = arith.constant 1 : i32
      %add3A_326 = vector.broadcast %add3A_325 : i32 to vector<16xi32>
      %add3A_327 = arith.addi %select_n3A_29, %add3A_326 : vector<16xi32>
      %broadcast_in_dim3A_328 = vector.shape_cast %add3A_327 : vector<16xi32> to vector<16x1xi32>
      %gather3A_329 = vector.shape_cast %broadcast_in_dim3A_328 : vector<16x1xi32> to vector<16xi32>
      %gather3A_330 = tpu.dynamic_gather %get3A_311[%gather3A_329] in [0] : vector<16xi32>, vector<16xi32> -> vector<16xi32>
      %select_n3A_331 = arith.select %lt3A_32, %gather3A_324, %gather3A_330 : vector<16xi1>, vector<16xi32>
      %mul3A_332 = arith.constant 32 : i32
      %mul3A_333 = vector.broadcast %mul3A_332 : i32 to vector<16xi32>
      %mul3A_334 = arith.muli %select_n3A_318, %mul3A_333 : vector<16xi32>
      %add3A_335 = arith.addi %mul3A_334, %select_n3A_331 : vector<16xi32>
      %swap3A_336 = arith.index_cast %scan3A_164 : i32 to index
      %swap3A_337 = arith.constant 48 : index
      %swap3A_338 = tpu.vector_load %arg6[%swap3A_336, %swap3A_337] {strides = array<i32>} : memref<64x128xi32, #tpu.memory_space<vmem>>, vector<1x16xi32>,
      %swap3A_339 = vector.shape_cast %swap3A_338 : vector<1x16xi32> to vector<16xi32>
      %swap3A_340 = vector.shape_cast %add3A_335 : vector<16xi32> to vector<1x16xi32>
      tpu.vector_store %arg6[%swap3A_336, %swap3A_337], %swap3A_340 {strides = array<i32>} : memref<64x128xi32, #tpu.memory_space<vmem>>, vector<1x16xi32>,
      %mul3A_341 = arith.constant 8 : i32
      %mul3A_342 = arith.muli %scan3A_164, %mul3A_341 : i32
      %add3A_343 = arith.constant 4 : i32
      %add3A_344 = arith.addi %mul3A_342, %add3A_343 : i32
      %mul3A_345 = arith.constant 32 : i32
      %mul3A_346 = arith.muli %mul3A_345, %add3A_344 : i32
      %get3A_347 = arith.index_cast %mul3A_346 : i32 to index
      %get3A_348 = tpu.vector_load %arg5[%get3A_347] {strides = array<i32>} : memref<16384xi32, #tpu.memory_space<vmem>>, vector<16xi32>,
      %get3A_349 = vector.shape_cast %get3A_348 : vector<16xi32> to vector<16xi32>
      %mul3A_350 = arith.constant 32 : i32
      %mul3A_351 = arith.muli %mul3A_350, %add3A_344 : i32
      %add3A_352 = arith.constant 16 : i32
      %add3A_353 = arith.addi %mul3A_351, %add3A_352 : i32
      %get3A_354 = arith.index_cast %add3A_353 : i32 to index
      %get3A_355 = tpu.vector_load %arg5[%get3A_354] {strides = array<i32>} : memref<16384xi32, #tpu.memory_space<vmem>>, vector<16xi32>,
      %get3A_356 = vector.shape_cast %get3A_355 : vector<16xi32> to vector<16xi32>
      %broadcast_in_dim3A_357 = vector.shape_cast %select_n3A_29 : vector<16xi32> to vector<16x1xi32>
      %gather3A_358 = vector.shape_cast %broadcast_in_dim3A_357 : vector<16x1xi32> to vector<16xi32>
      %gather3A_359 = tpu.dynamic_gather %get3A_349[%gather3A_358] in [0] : vector<16xi32>, vector<16xi32> -> vector<16xi32>
      %broadcast_in_dim3A_360 = vector.shape_cast %select_n3A_29 : vector<16xi32> to vector<16x1xi32>
      %gather3A_361 = vector.shape_cast %broadcast_in_dim3A_360 : vector<16x1xi32> to vector<16xi32>
      %gather3A_362 = tpu.dynamic_gather %get3A_356[%gather3A_361] in [0] : vector<16xi32>, vector<16xi32> -> vector<16xi32>
      %select_n3A_363 = arith.select %lt3A_32, %gather3A_359, %gather3A_362 : vector<16xi1>, vector<16xi32>
      %add3A_364 = arith.constant 1 : i32
      %add3A_365 = vector.broadcast %add3A_364 : i32 to vector<16xi32>
      %add3A_366 = arith.addi %select_n3A_29, %add3A_365 : vector<16xi32>
      %broadcast_in_dim3A_367 = vector.shape_cast %add3A_366 : vector<16xi32> to vector<16x1xi32>
      %gather3A_368 = vector.shape_cast %broadcast_in_dim3A_367 : vector<16x1xi32> to vector<16xi32>
      %gather3A_369 = tpu.dynamic_gather %get3A_349[%gather3A_368] in [0] : vector<16xi32>, vector<16xi32> -> vector<16xi32>
      %add3A_370 = arith.constant 1 : i32
      %add3A_371 = vector.broadcast %add3A_370 : i32 to vector<16xi32>
      %add3A_372 = arith.addi %select_n3A_29, %add3A_371 : vector<16xi32>
      %broadcast_in_dim3A_373 = vector.shape_cast %add3A_372 : vector<16xi32> to vector<16x1xi32>
      %gather3A_374 = vector.shape_cast %broadcast_in_dim3A_373 : vector<16x1xi32> to vector<16xi32>
      %gather3A_375 = tpu.dynamic_gather %get3A_356[%gather3A_374] in [0] : vector<16xi32>, vector<16xi32> -> vector<16xi32>
      %select_n3A_376 = arith.select %lt3A_32, %gather3A_369, %gather3A_375 : vector<16xi1>, vector<16xi32>
      %mul3A_377 = arith.constant 32 : i32
      %mul3A_378 = vector.broadcast %mul3A_377 : i32 to vector<16xi32>
      %mul3A_379 = arith.muli %select_n3A_363, %mul3A_378 : vector<16xi32>
      %add3A_380 = arith.addi %mul3A_379, %select_n3A_376 : vector<16xi32>
      %swap3A_381 = arith.index_cast %scan3A_164 : i32 to index
      %swap3A_382 = arith.constant 64 : index
      %swap3A_383 = tpu.vector_load %arg6[%swap3A_381, %swap3A_382] {strides = array<i32>} : memref<64x128xi32, #tpu.memory_space<vmem>>, vector<1x16xi32>,
      %swap3A_384 = vector.shape_cast %swap3A_383 : vector<1x16xi32> to vector<16xi32>
      %swap3A_385 = vector.shape_cast %add3A_380 : vector<16xi32> to vector<1x16xi32>
      tpu.vector_store %arg6[%swap3A_381, %swap3A_382], %swap3A_385 {strides = array<i32>} : memref<64x128xi32, #tpu.memory_space<vmem>>, vector<1x16xi32>,
      %mul3A_386 = arith.constant 8 : i32
      %mul3A_387 = arith.muli %scan3A_164, %mul3A_386 : i32
      %add3A_388 = arith.constant 5 : i32
      %add3A_389 = arith.addi %mul3A_387, %add3A_388 : i32
      %mul3A_390 = arith.constant 32 : i32
      %mul3A_391 = arith.muli %mul3A_390, %add3A_389 : i32
      %get3A_392 = arith.index_cast %mul3A_391 : i32 to index
      %get3A_393 = tpu.vector_load %arg5[%get3A_392] {strides = array<i32>} : memref<16384xi32, #tpu.memory_space<vmem>>, vector<16xi32>,
      %get3A_394 = vector.shape_cast %get3A_393 : vector<16xi32> to vector<16xi32>
      %mul3A_395 = arith.constant 32 : i32
      %mul3A_396 = arith.muli %mul3A_395, %add3A_389 : i32
      %add3A_397 = arith.constant 16 : i32
      %add3A_398 = arith.addi %mul3A_396, %add3A_397 : i32
      %get3A_399 = arith.index_cast %add3A_398 : i32 to index
      %get3A_400 = tpu.vector_load %arg5[%get3A_399] {strides = array<i32>} : memref<16384xi32, #tpu.memory_space<vmem>>, vector<16xi32>,
      %get3A_401 = vector.shape_cast %get3A_400 : vector<16xi32> to vector<16xi32>
      %broadcast_in_dim3A_402 = vector.shape_cast %select_n3A_29 : vector<16xi32> to vector<16x1xi32>
      %gather3A_403 = vector.shape_cast %broadcast_in_dim3A_402 : vector<16x1xi32> to vector<16xi32>
      %gather3A_404 = tpu.dynamic_gather %get3A_394[%gather3A_403] in [0] : vector<16xi32>, vector<16xi32> -> vector<16xi32>
      %broadcast_in_dim3A_405 = vector.shape_cast %select_n3A_29 : vector<16xi32> to vector<16x1xi32>
      %gather3A_406 = vector.shape_cast %broadcast_in_dim3A_405 : vector<16x1xi32> to vector<16xi32>
      %gather3A_407 = tpu.dynamic_gather %get3A_401[%gather3A_406] in [0] : vector<16xi32>, vector<16xi32> -> vector<16xi32>
      %select_n3A_408 = arith.select %lt3A_32, %gather3A_404, %gather3A_407 : vector<16xi1>, vector<16xi32>
      %add3A_409 = arith.constant 1 : i32
      %add3A_410 = vector.broadcast %add3A_409 : i32 to vector<16xi32>
      %add3A_411 = arith.addi %select_n3A_29, %add3A_410 : vector<16xi32>
      %broadcast_in_dim3A_412 = vector.shape_cast %add3A_411 : vector<16xi32> to vector<16x1xi32>
      %gather3A_413 = vector.shape_cast %broadcast_in_dim3A_412 : vector<16x1xi32> to vector<16xi32>
      %gather3A_414 = tpu.dynamic_gather %get3A_394[%gather3A_413] in [0] : vector<16xi32>, vector<16xi32> -> vector<16xi32>
      %add3A_415 = arith.constant 1 : i32
      %add3A_416 = vector.broadcast %add3A_415 : i32 to vector<16xi32>
      %add3A_417 = arith.addi %select_n3A_29, %add3A_416 : vector<16xi32>
      %broadcast_in_dim3A_418 = vector.shape_cast %add3A_417 : vector<16xi32> to vector<16x1xi32>
      %gather3A_419 = vector.shape_cast %broadcast_in_dim3A_418 : vector<16x1xi32> to vector<16xi32>
      %gather3A_420 = tpu.dynamic_gather %get3A_401[%gather3A_419] in [0] : vector<16xi32>, vector<16xi32> -> vector<16xi32>
      %select_n3A_421 = arith.select %lt3A_32, %gather3A_414, %gather3A_420 : vector<16xi1>, vector<16xi32>
      %mul3A_422 = arith.constant 32 : i32
      %mul3A_423 = vector.broadcast %mul3A_422 : i32 to vector<16xi32>
      %mul3A_424 = arith.muli %select_n3A_408, %mul3A_423 : vector<16xi32>
      %add3A_425 = arith.addi %mul3A_424, %select_n3A_421 : vector<16xi32>
      %swap3A_426 = arith.index_cast %scan3A_164 : i32 to index
      %swap3A_427 = arith.constant 80 : index
      %swap3A_428 = tpu.vector_load %arg6[%swap3A_426, %swap3A_427] {strides = array<i32>} : memref<64x128xi32, #tpu.memory_space<vmem>>, vector<1x16xi32>,
      %swap3A_429 = vector.shape_cast %swap3A_428 : vector<1x16xi32> to vector<16xi32>
      %swap3A_430 = vector.shape_cast %add3A_425 : vector<16xi32> to vector<1x16xi32>
      tpu.vector_store %arg6[%swap3A_426, %swap3A_427], %swap3A_430 {strides = array<i32>} : memref<64x128xi32, #tpu.memory_space<vmem>>, vector<1x16xi32>,
      %mul3A_431 = arith.constant 8 : i32
      %mul3A_432 = arith.muli %scan3A_164, %mul3A_431 : i32
      %add3A_433 = arith.constant 6 : i32
      %add3A_434 = arith.addi %mul3A_432, %add3A_433 : i32
      %mul3A_435 = arith.constant 32 : i32
      %mul3A_436 = arith.muli %mul3A_435, %add3A_434 : i32
      %get3A_437 = arith.index_cast %mul3A_436 : i32 to index
      %get3A_438 = tpu.vector_load %arg5[%get3A_437] {strides = array<i32>} : memref<16384xi32, #tpu.memory_space<vmem>>, vector<16xi32>,
      %get3A_439 = vector.shape_cast %get3A_438 : vector<16xi32> to vector<16xi32>
      %mul3A_440 = arith.constant 32 : i32
      %mul3A_441 = arith.muli %mul3A_440, %add3A_434 : i32
      %add3A_442 = arith.constant 16 : i32
      %add3A_443 = arith.addi %mul3A_441, %add3A_442 : i32
      %get3A_444 = arith.index_cast %add3A_443 : i32 to index
      %get3A_445 = tpu.vector_load %arg5[%get3A_444] {strides = array<i32>} : memref<16384xi32, #tpu.memory_space<vmem>>, vector<16xi32>,
      %get3A_446 = vector.shape_cast %get3A_445 : vector<16xi32> to vector<16xi32>
      %broadcast_in_dim3A_447 = vector.shape_cast %select_n3A_29 : vector<16xi32> to vector<16x1xi32>
      %gather3A_448 = vector.shape_cast %broadcast_in_dim3A_447 : vector<16x1xi32> to vector<16xi32>
      %gather3A_449 = tpu.dynamic_gather %get3A_439[%gather3A_448] in [0] : vector<16xi32>, vector<16xi32> -> vector<16xi32>
      %broadcast_in_dim3A_450 = vector.shape_cast %select_n3A_29 : vector<16xi32> to vector<16x1xi32>
      %gather3A_451 = vector.shape_cast %broadcast_in_dim3A_450 : vector<16x1xi32> to vector<16xi32>
      %gather3A_452 = tpu.dynamic_gather %get3A_446[%gather3A_451] in [0] : vector<16xi32>, vector<16xi32> -> vector<16xi32>
      %select_n3A_453 = arith.select %lt3A_32, %gather3A_449, %gather3A_452 : vector<16xi1>, vector<16xi32>
      %add3A_454 = arith.constant 1 : i32
      %add3A_455 = vector.broadcast %add3A_454 : i32 to vector<16xi32>
      %add3A_456 = arith.addi %select_n3A_29, %add3A_455 : vector<16xi32>
      %broadcast_in_dim3A_457 = vector.shape_cast %add3A_456 : vector<16xi32> to vector<16x1xi32>
      %gather3A_458 = vector.shape_cast %broadcast_in_dim3A_457 : vector<16x1xi32> to vector<16xi32>
      %gather3A_459 = tpu.dynamic_gather %get3A_439[%gather3A_458] in [0] : vector<16xi32>, vector<16xi32> -> vector<16xi32>
      %add3A_460 = arith.constant 1 : i32
      %add3A_461 = vector.broadcast %add3A_460 : i32 to vector<16xi32>
      %add3A_462 = arith.addi %select_n3A_29, %add3A_461 : vector<16xi32>
      %broadcast_in_dim3A_463 = vector.shape_cast %add3A_462 : vector<16xi32> to vector<16x1xi32>
      %gather3A_464 = vector.shape_cast %broadcast_in_dim3A_463 : vector<16x1xi32> to vector<16xi32>
      %gather3A_465 = tpu.dynamic_gather %get3A_446[%gather3A_464] in [0] : vector<16xi32>, vector<16xi32> -> vector<16xi32>
      %select_n3A_466 = arith.select %lt3A_32, %gather3A_459, %gather3A_465 : vector<16xi1>, vector<16xi32>
      %mul3A_467 = arith.constant 32 : i32
      %mul3A_468 = vector.broadcast %mul3A_467 : i32 to vector<16xi32>
      %mul3A_469 = arith.muli %select_n3A_453, %mul3A_468 : vector<16xi32>
      %add3A_470 = arith.addi %mul3A_469, %select_n3A_466 : vector<16xi32>
      %swap3A_471 = arith.index_cast %scan3A_164 : i32 to index
      %swap3A_472 = arith.constant 96 : index
      %swap3A_473 = tpu.vector_load %arg6[%swap3A_471, %swap3A_472] {strides = array<i32>} : memref<64x128xi32, #tpu.memory_space<vmem>>, vector<1x16xi32>,
      %swap3A_474 = vector.shape_cast %swap3A_473 : vector<1x16xi32> to vector<16xi32>
      %swap3A_475 = vector.shape_cast %add3A_470 : vector<16xi32> to vector<1x16xi32>
      tpu.vector_store %arg6[%swap3A_471, %swap3A_472], %swap3A_475 {strides = array<i32>} : memref<64x128xi32, #tpu.memory_space<vmem>>, vector<1x16xi32>,
      %mul3A_476 = arith.constant 8 : i32
      %mul3A_477 = arith.muli %scan3A_164, %mul3A_476 : i32
      %add3A_478 = arith.constant 7 : i32
      %add3A_479 = arith.addi %mul3A_477, %add3A_478 : i32
      %mul3A_480 = arith.constant 32 : i32
      %mul3A_481 = arith.muli %mul3A_480, %add3A_479 : i32
      %get3A_482 = arith.index_cast %mul3A_481 : i32 to index
      %get3A_483 = tpu.vector_load %arg5[%get3A_482] {strides = array<i32>} : memref<16384xi32, #tpu.memory_space<vmem>>, vector<16xi32>,
      %get3A_484 = vector.shape_cast %get3A_483 : vector<16xi32> to vector<16xi32>
      %mul3A_485 = arith.constant 32 : i32
      %mul3A_486 = arith.muli %mul3A_485, %add3A_479 : i32
      %add3A_487 = arith.constant 16 : i32
      %add3A_488 = arith.addi %mul3A_486, %add3A_487 : i32
      %get3A_489 = arith.index_cast %add3A_488 : i32 to index
      %get3A_490 = tpu.vector_load %arg5[%get3A_489] {strides = array<i32>} : memref<16384xi32, #tpu.memory_space<vmem>>, vector<16xi32>,
      %get3A_491 = vector.shape_cast %get3A_490 : vector<16xi32> to vector<16xi32>
      %broadcast_in_dim3A_492 = vector.shape_cast %select_n3A_29 : vector<16xi32> to vector<16x1xi32>
      %gather3A_493 = vector.shape_cast %broadcast_in_dim3A_492 : vector<16x1xi32> to vector<16xi32>
      %gather3A_494 = tpu.dynamic_gather %get3A_484[%gather3A_493] in [0] : vector<16xi32>, vector<16xi32> -> vector<16xi32>
      %broadcast_in_dim3A_495 = vector.shape_cast %select_n3A_29 : vector<16xi32> to vector<16x1xi32>
      %gather3A_496 = vector.shape_cast %broadcast_in_dim3A_495 : vector<16x1xi32> to vector<16xi32>
      %gather3A_497 = tpu.dynamic_gather %get3A_491[%gather3A_496] in [0] : vector<16xi32>, vector<16xi32> -> vector<16xi32>
      %select_n3A_498 = arith.select %lt3A_32, %gather3A_494, %gather3A_497 : vector<16xi1>, vector<16xi32>
      %add3A_499 = arith.constant 1 : i32
      %add3A_500 = vector.broadcast %add3A_499 : i32 to vector<16xi32>
      %add3A_501 = arith.addi %select_n3A_29, %add3A_500 : vector<16xi32>
      %broadcast_in_dim3A_502 = vector.shape_cast %add3A_501 : vector<16xi32> to vector<16x1xi32>
      %gather3A_503 = vector.shape_cast %broadcast_in_dim3A_502 : vector<16x1xi32> to vector<16xi32>
      %gather3A_504 = tpu.dynamic_gather %get3A_484[%gather3A_503] in [0] : vector<16xi32>, vector<16xi32> -> vector<16xi32>
      %add3A_505 = arith.constant 1 : i32
      %add3A_506 = vector.broadcast %add3A_505 : i32 to vector<16xi32>
      %add3A_507 = arith.addi %select_n3A_29, %add3A_506 : vector<16xi32>
      %broadcast_in_dim3A_508 = vector.shape_cast %add3A_507 : vector<16xi32> to vector<16x1xi32>
      %gather3A_509 = vector.shape_cast %broadcast_in_dim3A_508 : vector<16x1xi32> to vector<16xi32>
      %gather3A_510 = tpu.dynamic_gather %get3A_491[%gather3A_509] in [0] : vector<16xi32>, vector<16xi32> -> vector<16xi32>
      %select_n3A_511 = arith.select %lt3A_32, %gather3A_504, %gather3A_510 : vector<16xi1>, vector<16xi32>
      %mul3A_512 = arith.constant 32 : i32
      %mul3A_513 = vector.broadcast %mul3A_512 : i32 to vector<16xi32>
      %mul3A_514 = arith.muli %select_n3A_498, %mul3A_513 : vector<16xi32>
      %add3A_515 = arith.addi %mul3A_514, %select_n3A_511 : vector<16xi32>
      %swap3A_516 = arith.index_cast %scan3A_164 : i32 to index
      %swap3A_517 = arith.constant 112 : index
      %swap3A_518 = tpu.vector_load %arg6[%swap3A_516, %swap3A_517] {strides = array<i32>} : memref<64x128xi32, #tpu.memory_space<vmem>>, vector<1x16xi32>,
      %swap3A_519 = vector.shape_cast %swap3A_518 : vector<1x16xi32> to vector<16xi32>
      %swap3A_520 = vector.shape_cast %add3A_515 : vector<16xi32> to vector<1x16xi32>
      tpu.vector_store %arg6[%swap3A_516, %swap3A_517], %swap3A_520 {strides = array<i32>} : memref<64x128xi32, #tpu.memory_space<vmem>>, vector<1x16xi32>,
    }
    %scan3A_37 = arith.constant 64 : i32
    %add3A_38 = arith.constant 0 : i32
    %add3A_39 = arith.addi %mul3A_2, %add3A_38 : i32
    %dma_start3A_40 = arith.constant 0 : i32
    %dma_start3A_41 = arith.constant 0 : i32
    %dma_start3A_42 = arith.constant 0 : i32
    %dma_start3A_43 = tpu.memref_slice %arg7[%dma_start3A_40, %dma_start3A_41, %dma_start3A_42] : memref<3x128x192xf32, #tpu.memory_space<vmem>> -> memref<1x128x192xf32, #tpu.memory_space<vmem>>
    %dma_start3A_44 = tpu.memref_squeeze %dma_start3A_43 : memref<1x128x192xf32, #tpu.memory_space<vmem>> -> memref<128x192xf32, #tpu.memory_space<vmem>>
    %dma_start3A_45 = arith.constant 0 : i32
    %dma_start3A_46 = tpu.memref_slice %arg4[%add3A_39, %dma_start3A_45] : memref<262144x192xf32, #tpu.memory_space<hbm>> -> memref<128x192xf32, #tpu.memory_space<hbm>>
    %dma_start3A_47 = arith.constant 0 : i32
    %dma_start3A_48 = tpu.memref_slice %arg4[%add3A_39, %dma_start3A_47] : memref<262144x192xf32, #tpu.memory_space<hbm>> -> memref<128x192xf32, #tpu.memory_space<hbm>>
    %dma_start3A_49 = arith.constant 0 : i32
    %dma_start3A_50 = arith.constant 0 : i32
    %dma_start3A_51 = tpu.memref_slice %arg7[%dma_start3A_40, %dma_start3A_49, %dma_start3A_50] : memref<3x128x192xf32, #tpu.memory_space<vmem>> -> memref<1x128x192xf32, #tpu.memory_space<vmem>>
    %dma_start3A_52 = tpu.memref_squeeze %dma_start3A_51 : memref<1x128x192xf32, #tpu.memory_space<vmem>> -> memref<128x192xf32, #tpu.memory_space<vmem>>
    tpu.enqueue_dma source(%dma_start3A_52 : memref<128x192xf32, #tpu.memory_space<vmem>>) target(%dma_start3A_48 : memref<128x192xf32, #tpu.memory_space<hbm>>) target_semaphore(%arg13 : memref<!tpu.dma_semaphore, #tpu.memory_space<semaphore_mem>>)
    %add3A_53 = arith.constant 0 : i32
    %add3A_54 = arith.addi %mul3A_2, %add3A_53 : i32
    %dma_wait3A_55 = arith.constant 0 : i32
    %dma_wait3A_56 = arith.constant 0 : i32
    %dma_wait3A_57 = arith.constant 0 : i32
    %dma_wait3A_58 = tpu.memref_slice %arg7[%dma_wait3A_55, %dma_wait3A_56, %dma_wait3A_57] : memref<3x128x192xf32, #tpu.memory_space<vmem>> -> memref<1x128x192xf32, #tpu.memory_space<vmem>>
    %dma_wait3A_59 = tpu.memref_squeeze %dma_wait3A_58 : memref<1x128x192xf32, #tpu.memory_space<vmem>> -> memref<128x192xf32, #tpu.memory_space<vmem>>
    %dma_wait3A_60 = arith.constant 0 : i32
    %dma_wait3A_61 = tpu.memref_slice %arg4[%add3A_54, %dma_wait3A_60] : memref<262144x192xf32, #tpu.memory_space<hbm>> -> memref<128x192xf32, #tpu.memory_space<hbm>>
    %dma_wait3A_62 = arith.constant 0 : i32
    %dma_wait3A_63 = tpu.memref_slice %arg4[%add3A_54, %dma_wait3A_62] : memref<262144x192xf32, #tpu.memory_space<hbm>> -> memref<128x192xf32, #tpu.memory_space<hbm>>
    %dma_wait3A_64 = arith.constant 0 : i32
    %dma_wait3A_65 = arith.constant 0 : i32
    %dma_wait3A_66 = tpu.memref_slice %arg7[%dma_wait3A_55, %dma_wait3A_64, %dma_wait3A_65] : memref<3x128x192xf32, #tpu.memory_space<vmem>> -> memref<1x128x192xf32, #tpu.memory_space<vmem>>
    %dma_wait3A_67 = tpu.memref_squeeze %dma_wait3A_66 : memref<1x128x192xf32, #tpu.memory_space<vmem>> -> memref<128x192xf32, #tpu.memory_space<vmem>>
    tpu.wait_dma2 semaphore(%arg13 : memref<!tpu.dma_semaphore, #tpu.memory_space<semaphore_mem>>) src(%dma_wait3A_67 : memref<128x192xf32, #tpu.memory_space<vmem>>) dst(%dma_wait3A_63 : memref<128x192xf32, #tpu.memory_space<hbm>>)
    %add3A_68 = arith.constant 128 : i32
    %add3A_69 = arith.addi %mul3A_2, %add3A_68 : i32
    %dma_start3A_70 = arith.constant 1 : i32
    %dma_start3A_71 = arith.constant 0 : i32
    %dma_start3A_72 = arith.constant 0 : i32
    %dma_start3A_73 = tpu.memref_slice %arg7[%dma_start3A_70, %dma_start3A_71, %dma_start3A_72] : memref<3x128x192xf32, #tpu.memory_space<vmem>> -> memref<1x128x192xf32, #tpu.memory_space<vmem>>
    %dma_start3A_74 = tpu.memref_squeeze %dma_start3A_73 : memref<1x128x192xf32, #tpu.memory_space<vmem>> -> memref<128x192xf32, #tpu.memory_space<vmem>>
    %dma_start3A_75 = arith.constant 0 : i32
    %dma_start3A_76 = tpu.memref_slice %arg4[%add3A_69, %dma_start3A_75] : memref<262144x192xf32, #tpu.memory_space<hbm>> -> memref<128x192xf32, #tpu.memory_space<hbm>>
    %dma_start3A_77 = arith.constant 0 : i32
    %dma_start3A_78 = tpu.memref_slice %arg4[%add3A_69, %dma_start3A_77] : memref<262144x192xf32, #tpu.memory_space<hbm>> -> memref<128x192xf32, #tpu.memory_space<hbm>>
    %dma_start3A_79 = arith.constant 0 : i32
    %dma_start3A_80 = arith.constant 0 : i32
    %dma_start3A_81 = tpu.memref_slice %arg7[%dma_start3A_70, %dma_start3A_79, %dma_start3A_80] : memref<3x128x192xf32, #tpu.memory_space<vmem>> -> memref<1x128x192xf32, #tpu.memory_space<vmem>>
    %dma_start3A_82 = tpu.memref_squeeze %dma_start3A_81 : memref<1x128x192xf32, #tpu.memory_space<vmem>> -> memref<128x192xf32, #tpu.memory_space<vmem>>
    tpu.enqueue_dma source(%dma_start3A_82 : memref<128x192xf32, #tpu.memory_space<vmem>>) target(%dma_start3A_78 : memref<128x192xf32, #tpu.memory_space<hbm>>) target_semaphore(%arg14 : memref<!tpu.dma_semaphore, #tpu.memory_space<semaphore_mem>>)
    %scan3A_83 = arith.constant 0 : i32
    %scan3A_84 = arith.constant 0 : i32
    %scan3A_85 = arith.constant 20 : i32
    %scan3A_86 = arith.addi %scan3A_84, %scan3A_85 : i32
    %scan3A_87 = arith.constant 1 : i32
    scf.for %scan3A_164 = %scan3A_84 to %scan3A_86 step %scan3A_87  : i32 {
      %mul3A_165 = arith.constant 3 : i32
      %mul3A_166 = arith.muli %scan3A_164, %mul3A_165 : i32
      %add3A_167 = arith.constant 2 : i32
      %add3A_168 = arith.addi %add3A_167, %mul3A_166 : i32
      %add3A_169 = arith.constant 0 : i32
      %add3A_170 = arith.addi %add3A_168, %add3A_169 : i32
      %add3A_171 = arith.constant 2 : i32
      %add3A_172 = arith.addi %add3A_170, %add3A_171 : i32
      %sub3A = arith.constant 3 : i32
      %sub3A_173 = arith.subi %add3A_172, %sub3A : i32
      %mul3A_174 = arith.constant 128 : i32
      %mul3A_175 = arith.muli %sub3A_173, %mul3A_174 : i32
      %add3A_176 = arith.addi %mul3A_2, %mul3A_175 : i32
      %dma_wait3A_177 = arith.constant 1 : i32
      %dma_wait3A_178 = arith.constant 0 : i32
      %dma_wait3A_179 = arith.constant 0 : i32
      %dma_wait3A_180 = tpu.memref_slice %arg7[%dma_wait3A_177, %dma_wait3A_178, %dma_wait3A_179] : memref<3x128x192xf32, #tpu.memory_space<vmem>> -> memref<1x128x192xf32, #tpu.memory_space<vmem>>
      %dma_wait3A_181 = tpu.memref_squeeze %dma_wait3A_180 : memref<1x128x192xf32, #tpu.memory_space<vmem>> -> memref<128x192xf32, #tpu.memory_space<vmem>>
      %dma_wait3A_182 = arith.constant 0 : i32
      %dma_wait3A_183 = tpu.memref_slice %arg4[%add3A_176, %dma_wait3A_182] : memref<262144x192xf32, #tpu.memory_space<hbm>> -> memref<128x192xf32, #tpu.memory_space<hbm>>
      %dma_wait3A_184 = arith.constant 0 : i32
      %dma_wait3A_185 = tpu.memref_slice %arg4[%add3A_176, %dma_wait3A_184] : memref<262144x192xf32, #tpu.memory_space<hbm>> -> memref<128x192xf32, #tpu.memory_space<hbm>>
      %dma_wait3A_186 = arith.constant 0 : i32
      %dma_wait3A_187 = arith.constant 0 : i32
      %dma_wait3A_188 = tpu.memref_slice %arg7[%dma_wait3A_177, %dma_wait3A_186, %dma_wait3A_187] : memref<3x128x192xf32, #tpu.memory_space<vmem>> -> memref<1x128x192xf32, #tpu.memory_space<vmem>>
      %dma_wait3A_189 = tpu.memref_squeeze %dma_wait3A_188 : memref<1x128x192xf32, #tpu.memory_space<vmem>> -> memref<128x192xf32, #tpu.memory_space<vmem>>
      tpu.wait_dma2 semaphore(%arg14 : memref<!tpu.dma_semaphore, #tpu.memory_space<semaphore_mem>>) src(%dma_wait3A_189 : memref<128x192xf32, #tpu.memory_space<vmem>>) dst(%dma_wait3A_185 : memref<128x192xf32, #tpu.memory_space<hbm>>)
      %mul3A_190 = arith.constant 128 : i32
      %mul3A_191 = arith.muli %add3A_170, %mul3A_190 : i32
      %add3A_192 = arith.addi %mul3A_2, %mul3A_191 : i32
      %dma_start3A_193 = arith.constant 2 : i32
      %dma_start3A_194 = arith.constant 0 : i32
      %dma_start3A_195 = arith.constant 0 : i32
      %dma_start3A_196 = tpu.memref_slice %arg7[%dma_start3A_193, %dma_start3A_194, %dma_start3A_195] : memref<3x128x192xf32, #tpu.memory_space<vmem>> -> memref<1x128x192xf32, #tpu.memory_space<vmem>>
      %dma_start3A_197 = tpu.memref_squeeze %dma_start3A_196 : memref<1x128x192xf32, #tpu.memory_space<vmem>> -> memref<128x192xf32, #tpu.memory_space<vmem>>
      %dma_start3A_198 = arith.constant 0 : i32
      %dma_start3A_199 = tpu.memref_slice %arg4[%add3A_192, %dma_start3A_198] : memref<262144x192xf32, #tpu.memory_space<hbm>> -> memref<128x192xf32, #tpu.memory_space<hbm>>
      %dma_start3A_200 = arith.constant 0 : i32
      %dma_start3A_201 = tpu.memref_slice %arg4[%add3A_192, %dma_start3A_200] : memref<262144x192xf32, #tpu.memory_space<hbm>> -> memref<128x192xf32, #tpu.memory_space<hbm>>
      %dma_start3A_202 = arith.constant 0 : i32
      %dma_start3A_203 = arith.constant 0 : i32
      %dma_start3A_204 = tpu.memref_slice %arg7[%dma_start3A_193, %dma_start3A_202, %dma_start3A_203] : memref<3x128x192xf32, #tpu.memory_space<vmem>> -> memref<1x128x192xf32, #tpu.memory_space<vmem>>
      %dma_start3A_205 = tpu.memref_squeeze %dma_start3A_204 : memref<1x128x192xf32, #tpu.memory_space<vmem>> -> memref<128x192xf32, #tpu.memory_space<vmem>>
      tpu.enqueue_dma source(%dma_start3A_205 : memref<128x192xf32, #tpu.memory_space<vmem>>) target(%dma_start3A_201 : memref<128x192xf32, #tpu.memory_space<hbm>>) target_semaphore(%arg15 : memref<!tpu.dma_semaphore, #tpu.memory_space<semaphore_mem>>)
      %add3A_206 = arith.constant 1 : i32
      %add3A_207 = arith.addi %add3A_168, %add3A_206 : i32
      %add3A_208 = arith.constant 2 : i32
      %add3A_209 = arith.addi %add3A_207, %add3A_208 : i32
      %sub3A_210 = arith.constant 3 : i32
      %sub3A_211 = arith.subi %add3A_209, %sub3A_210 : i32
      %mul3A_212 = arith.constant 128 : i32
      %mul3A_213 = arith.muli %sub3A_211, %mul3A_212 : i32
      %add3A_214 = arith.addi %mul3A_2, %mul3A_213 : i32
      %dma_wait3A_215 = arith.constant 2 : i32
      %dma_wait3A_216 = arith.constant 0 : i32
      %dma_wait3A_217 = arith.constant 0 : i32
      %dma_wait3A_218 = tpu.memref_slice %arg7[%dma_wait3A_215, %dma_wait3A_216, %dma_wait3A_217] : memref<3x128x192xf32, #tpu.memory_space<vmem>> -> memref<1x128x192xf32, #tpu.memory_space<vmem>>
      %dma_wait3A_219 = tpu.memref_squeeze %dma_wait3A_218 : memref<1x128x192xf32, #tpu.memory_space<vmem>> -> memref<128x192xf32, #tpu.memory_space<vmem>>
      %dma_wait3A_220 = arith.constant 0 : i32
      %dma_wait3A_221 = tpu.memref_slice %arg4[%add3A_214, %dma_wait3A_220] : memref<262144x192xf32, #tpu.memory_space<hbm>> -> memref<128x192xf32, #tpu.memory_space<hbm>>
      %dma_wait3A_222 = arith.constant 0 : i32
      %dma_wait3A_223 = tpu.memref_slice %arg4[%add3A_214, %dma_wait3A_222] : memref<262144x192xf32, #tpu.memory_space<hbm>> -> memref<128x192xf32, #tpu.memory_space<hbm>>
      %dma_wait3A_224 = arith.constant 0 : i32
      %dma_wait3A_225 = arith.constant 0 : i32
      %dma_wait3A_226 = tpu.memref_slice %arg7[%dma_wait3A_215, %dma_wait3A_224, %dma_wait3A_225] : memref<3x128x192xf32, #tpu.memory_space<vmem>> -> memref<1x128x192xf32, #tpu.memory_space<vmem>>
      %dma_wait3A_227 = tpu.memref_squeeze %dma_wait3A_226 : memref<1x128x192xf32, #tpu.memory_space<vmem>> -> memref<128x192xf32, #tpu.memory_space<vmem>>
      tpu.wait_dma2 semaphore(%arg15 : memref<!tpu.dma_semaphore, #tpu.memory_space<semaphore_mem>>) src(%dma_wait3A_227 : memref<128x192xf32, #tpu.memory_space<vmem>>) dst(%dma_wait3A_223 : memref<128x192xf32, #tpu.memory_space<hbm>>)
      %mul3A_228 = arith.constant 128 : i32
      %mul3A_229 = arith.muli %add3A_207, %mul3A_228 : i32
      %add3A_230 = arith.addi %mul3A_2, %mul3A_229 : i32
      %dma_start3A_231 = arith.constant 0 : i32
      %dma_start3A_232 = arith.constant 0 : i32
      %dma_start3A_233 = arith.constant 0 : i32
      %dma_start3A_234 = tpu.memref_slice %arg7[%dma_start3A_231, %dma_start3A_232, %dma_start3A_233] : memref<3x128x192xf32, #tpu.memory_space<vmem>> -> memref<1x128x192xf32, #tpu.memory_space<vmem>>
      %dma_start3A_235 = tpu.memref_squeeze %dma_start3A_234 : memref<1x128x192xf32, #tpu.memory_space<vmem>> -> memref<128x192xf32, #tpu.memory_space<vmem>>
      %dma_start3A_236 = arith.constant 0 : i32
      %dma_start3A_237 = tpu.memref_slice %arg4[%add3A_230, %dma_start3A_236] : memref<262144x192xf32, #tpu.memory_space<hbm>> -> memref<128x192xf32, #tpu.memory_space<hbm>>
      %dma_start3A_238 = arith.constant 0 : i32
      %dma_start3A_239 = tpu.memref_slice %arg4[%add3A_230, %dma_start3A_238] : memref<262144x192xf32, #tpu.memory_space<hbm>> -> memref<128x192xf32, #tpu.memory_space<hbm>>
      %dma_start3A_240 = arith.constant 0 : i32
      %dma_start3A_241 = arith.constant 0 : i32
      %dma_start3A_242 = tpu.memref_slice %arg7[%dma_start3A_231, %dma_start3A_240, %dma_start3A_241] : memref<3x128x192xf32, #tpu.memory_space<vmem>> -> memref<1x128x192xf32, #tpu.memory_space<vmem>>
      %dma_start3A_243 = tpu.memref_squeeze %dma_start3A_242 : memref<1x128x192xf32, #tpu.memory_space<vmem>> -> memref<128x192xf32, #tpu.memory_space<vmem>>
      tpu.enqueue_dma source(%dma_start3A_243 : memref<128x192xf32, #tpu.memory_space<vmem>>) target(%dma_start3A_239 : memref<128x192xf32, #tpu.memory_space<hbm>>) target_semaphore(%arg13 : memref<!tpu.dma_semaphore, #tpu.memory_space<semaphore_mem>>)
      %add3A_244 = arith.constant 2 : i32
      %add3A_245 = arith.addi %add3A_168, %add3A_244 : i32
      %add3A_246 = arith.constant 2 : i32
      %add3A_247 = arith.addi %add3A_245, %add3A_246 : i32
      %sub3A_248 = arith.constant 3 : i32
      %sub3A_249 = arith.subi %add3A_247, %sub3A_248 : i32
      %mul3A_250 = arith.constant 128 : i32
      %mul3A_251 = arith.muli %sub3A_249, %mul3A_250 : i32
      %add3A_252 = arith.addi %mul3A_2, %mul3A_251 : i32
      %dma_wait3A_253 = arith.constant 0 : i32
      %dma_wait3A_254 = arith.constant 0 : i32
      %dma_wait3A_255 = arith.constant 0 : i32
      %dma_wait3A_256 = tpu.memref_slice %arg7[%dma_wait3A_253, %dma_wait3A_254, %dma_wait3A_255] : memref<3x128x192xf32, #tpu.memory_space<vmem>> -> memref<1x128x192xf32, #tpu.memory_space<vmem>>
      %dma_wait3A_257 = tpu.memref_squeeze %dma_wait3A_256 : memref<1x128x192xf32, #tpu.memory_space<vmem>> -> memref<128x192xf32, #tpu.memory_space<vmem>>
      %dma_wait3A_258 = arith.constant 0 : i32
      %dma_wait3A_259 = tpu.memref_slice %arg4[%add3A_252, %dma_wait3A_258] : memref<262144x192xf32, #tpu.memory_space<hbm>> -> memref<128x192xf32, #tpu.memory_space<hbm>>
      %dma_wait3A_260 = arith.constant 0 : i32
      %dma_wait3A_261 = tpu.memref_slice %arg4[%add3A_252, %dma_wait3A_260] : memref<262144x192xf32, #tpu.memory_space<hbm>> -> memref<128x192xf32, #tpu.memory_space<hbm>>
      %dma_wait3A_262 = arith.constant 0 : i32
      %dma_wait3A_263 = arith.constant 0 : i32
      %dma_wait3A_264 = tpu.memref_slice %arg7[%dma_wait3A_253, %dma_wait3A_262, %dma_wait3A_263] : memref<3x128x192xf32, #tpu.memory_space<vmem>> -> memref<1x128x192xf32, #tpu.memory_space<vmem>>
      %dma_wait3A_265 = tpu.memref_squeeze %dma_wait3A_264 : memref<1x128x192xf32, #tpu.memory_space<vmem>> -> memref<128x192xf32, #tpu.memory_space<vmem>>
      tpu.wait_dma2 semaphore(%arg13 : memref<!tpu.dma_semaphore, #tpu.memory_space<semaphore_mem>>) src(%dma_wait3A_265 : memref<128x192xf32, #tpu.memory_space<vmem>>) dst(%dma_wait3A_261 : memref<128x192xf32, #tpu.memory_space<hbm>>)
      %mul3A_266 = arith.constant 128 : i32
      %mul3A_267 = arith.muli %add3A_245, %mul3A_266 : i32
      %add3A_268 = arith.addi %mul3A_2, %mul3A_267 : i32
      %dma_start3A_269 = arith.constant 1 : i32
      %dma_start3A_270 = arith.constant 0 : i32
      %dma_start3A_271 = arith.constant 0 : i32
      %dma_start3A_272 = tpu.memref_slice %arg7[%dma_start3A_269, %dma_start3A_270, %dma_start3A_271] : memref<3x128x192xf32, #tpu.memory_space<vmem>> -> memref<1x128x192xf32, #tpu.memory_space<vmem>>
      %dma_start3A_273 = tpu.memref_squeeze %dma_start3A_272 : memref<1x128x192xf32, #tpu.memory_space<vmem>> -> memref<128x192xf32, #tpu.memory_space<vmem>>
      %dma_start3A_274 = arith.constant 0 : i32
      %dma_start3A_275 = tpu.memref_slice %arg4[%add3A_268, %dma_start3A_274] : memref<262144x192xf32, #tpu.memory_space<hbm>> -> memref<128x192xf32, #tpu.memory_space<hbm>>
      %dma_start3A_276 = arith.constant 0 : i32
      %dma_start3A_277 = tpu.memref_slice %arg4[%add3A_268, %dma_start3A_276] : memref<262144x192xf32, #tpu.memory_space<hbm>> -> memref<128x192xf32, #tpu.memory_space<hbm>>
      %dma_start3A_278 = arith.constant 0 : i32
      %dma_start3A_279 = arith.constant 0 : i32
      %dma_start3A_280 = tpu.memref_slice %arg7[%dma_start3A_269, %dma_start3A_278, %dma_start3A_279] : memref<3x128x192xf32, #tpu.memory_space<vmem>> -> memref<1x128x192xf32, #tpu.memory_space<vmem>>
      %dma_start3A_281 = tpu.memref_squeeze %dma_start3A_280 : memref<1x128x192xf32, #tpu.memory_space<vmem>> -> memref<128x192xf32, #tpu.memory_space<vmem>>
      tpu.enqueue_dma source(%dma_start3A_281 : memref<128x192xf32, #tpu.memory_space<vmem>>) target(%dma_start3A_277 : memref<128x192xf32, #tpu.memory_space<hbm>>) target_semaphore(%arg14 : memref<!tpu.dma_semaphore, #tpu.memory_space<semaphore_mem>>)
    }
    %scan3A_88 = arith.constant 20 : i32
    %add3A_89 = arith.constant 7808 : i32
    %add3A_90 = arith.addi %mul3A_2, %add3A_89 : i32
    %dma_wait3A_91 = arith.constant 1 : i32
    %dma_wait3A_92 = arith.constant 0 : i32
    %dma_wait3A_93 = arith.constant 0 : i32
    %dma_wait3A_94 = tpu.memref_slice %arg7[%dma_wait3A_91, %dma_wait3A_92, %dma_wait3A_93] : memref<3x128x192xf32, #tpu.memory_space<vmem>> -> memref<1x128x192xf32, #tpu.memory_space<vmem>>
    %dma_wait3A_95 = tpu.memref_squeeze %dma_wait3A_94 : memref<1x128x192xf32, #tpu.memory_space<vmem>> -> memref<128x192xf32, #tpu.memory_space<vmem>>
    %dma_wait3A_96 = arith.constant 0 : i32
    %dma_wait3A_97 = tpu.memref_slice %arg4[%add3A_90, %dma_wait3A_96] : memref<262144x192xf32, #tpu.memory_space<hbm>> -> memref<128x192xf32, #tpu.memory_space<hbm>>
    %dma_wait3A_98 = arith.constant 0 : i32
    %dma_wait3A_99 = tpu.memref_slice %arg4[%add3A_90, %dma_wait3A_98] : memref<262144x192xf32, #tpu.memory_space<hbm>> -> memref<128x192xf32, #tpu.memory_space<hbm>>
    %dma_wait3A_100 = arith.constant 0 : i32
    %dma_wait3A_101 = arith.constant 0 : i32
    %dma_wait3A_102 = tpu.memref_slice %arg7[%dma_wait3A_91, %dma_wait3A_100, %dma_wait3A_101] : memref<3x128x192xf32, #tpu.memory_space<vmem>> -> memref<1x128x192xf32, #tpu.memory_space<vmem>>
    %dma_wait3A_103 = tpu.memref_squeeze %dma_wait3A_102 : memref<1x128x192xf32, #tpu.memory_space<vmem>> -> memref<128x192xf32, #tpu.memory_space<vmem>>
    tpu.wait_dma2 semaphore(%arg14 : memref<!tpu.dma_semaphore, #tpu.memory_space<semaphore_mem>>) src(%dma_wait3A_103 : memref<128x192xf32, #tpu.memory_space<vmem>>) dst(%dma_wait3A_99 : memref<128x192xf32, #tpu.memory_space<hbm>>)
    %add3A_104 = arith.constant 7936 : i32
    %add3A_105 = arith.addi %mul3A_2, %add3A_104 : i32
    %dma_start3A_106 = arith.constant 2 : i32
    %dma_start3A_107 = arith.constant 0 : i32
    %dma_start3A_108 = arith.constant 0 : i32
    %dma_start3A_109 = tpu.memref_slice %arg7[%dma_start3A_106, %dma_start3A_107, %dma_start3A_108] : memref<3x128x192xf32, #tpu.memory_space<vmem>> -> memref<1x128x192xf32, #tpu.memory_space<vmem>>
    %dma_start3A_110 = tpu.memref_squeeze %dma_start3A_109 : memref<1x128x192xf32, #tpu.memory_space<vmem>> -> memref<128x192xf32, #tpu.memory_space<vmem>>
    %dma_start3A_111 = arith.constant 0 : i32
    %dma_start3A_112 = tpu.memref_slice %arg4[%add3A_105, %dma_start3A_111] : memref<262144x192xf32, #tpu.memory_space<hbm>> -> memref<128x192xf32, #tpu.memory_space<hbm>>
    %dma_start3A_113 = arith.constant 0 : i32
    %dma_start3A_114 = tpu.memref_slice %arg4[%add3A_105, %dma_start3A_113] : memref<262144x192xf32, #tpu.memory_space<hbm>> -> memref<128x192xf32, #tpu.memory_space<hbm>>
    %dma_start3A_115 = arith.constant 0 : i32
    %dma_start3A_116 = arith.constant 0 : i32
    %dma_start3A_117 = tpu.memref_slice %arg7[%dma_start3A_106, %dma_start3A_115, %dma_start3A_116] : memref<3x128x192xf32, #tpu.memory_space<vmem>> -> memref<1x128x192xf32, #tpu.memory_space<vmem>>
    %dma_start3A_118 = tpu.memref_squeeze %dma_start3A_117 : memref<1x128x192xf32, #tpu.memory_space<vmem>> -> memref<128x192xf32, #tpu.memory_space<vmem>>
    tpu.enqueue_dma source(%dma_start3A_118 : memref<128x192xf32, #tpu.memory_space<vmem>>) target(%dma_start3A_114 : memref<128x192xf32, #tpu.memory_space<hbm>>) target_semaphore(%arg15 : memref<!tpu.dma_semaphore, #tpu.memory_space<semaphore_mem>>)
    %add3A_119 = arith.constant 7936 : i32
    %add3A_120 = arith.addi %mul3A_2, %add3A_119 : i32
    %dma_wait3A_121 = arith.constant 2 : i32
    %dma_wait3A_122 = arith.constant 0 : i32
    %dma_wait3A_123 = arith.constant 0 : i32
    %dma_wait3A_124 = tpu.memref_slice %arg7[%dma_wait3A_121, %dma_wait3A_122, %dma_wait3A_123] : memref<3x128x192xf32, #tpu.memory_space<vmem>> -> memref<1x128x192xf32, #tpu.memory_space<vmem>>
    %dma_wait3A_125 = tpu.memref_squeeze %dma_wait3A_124 : memref<1x128x192xf32, #tpu.memory_space<vmem>> -> memref<128x192xf32, #tpu.memory_space<vmem>>
    %dma_wait3A_126 = arith.constant 0 : i32
    %dma_wait3A_127 = tpu.memref_slice %arg4[%add3A_120, %dma_wait3A_126] : memref<262144x192xf32, #tpu.memory_space<hbm>> -> memref<128x192xf32, #tpu.memory_space<hbm>>
    %dma_wait3A_128 = arith.constant 0 : i32
    %dma_wait3A_129 = tpu.memref_slice %arg4[%add3A_120, %dma_wait3A_128] : memref<262144x192xf32, #tpu.memory_space<hbm>> -> memref<128x192xf32, #tpu.memory_space<hbm>>
    %dma_wait3A_130 = arith.constant 0 : i32
    %dma_wait3A_131 = arith.constant 0 : i32
    %dma_wait3A_132 = tpu.memref_slice %arg7[%dma_wait3A_121, %dma_wait3A_130, %dma_wait3A_131] : memref<3x128x192xf32, #tpu.memory_space<vmem>> -> memref<1x128x192xf32, #tpu.memory_space<vmem>>
    %dma_wait3A_133 = tpu.memref_squeeze %dma_wait3A_132 : memref<1x128x192xf32, #tpu.memory_space<vmem>> -> memref<128x192xf32, #tpu.memory_space<vmem>>
    tpu.wait_dma2 semaphore(%arg15 : memref<!tpu.dma_semaphore, #tpu.memory_space<semaphore_mem>>) src(%dma_wait3A_133 : memref<128x192xf32, #tpu.memory_space<vmem>>) dst(%dma_wait3A_129 : memref<128x192xf32, #tpu.memory_space<hbm>>)
    %add3A_134 = arith.constant 8064 : i32
    %add3A_135 = arith.addi %mul3A_2, %add3A_134 : i32
    %dma_start3A_136 = arith.constant 0 : i32
    %dma_start3A_137 = arith.constant 0 : i32
    %dma_start3A_138 = arith.constant 0 : i32
    %dma_start3A_139 = tpu.memref_slice %arg7[%dma_start3A_136, %dma_start3A_137, %dma_start3A_138] : memref<3x128x192xf32, #tpu.memory_space<vmem>> -> memref<1x128x192xf32, #tpu.memory_space<vmem>>
    %dma_start3A_140 = tpu.memref_squeeze %dma_start3A_139 : memref<1x128x192xf32, #tpu.memory_space<vmem>> -> memref<128x192xf32, #tpu.memory_space<vmem>>
    %dma_start3A_141 = arith.constant 0 : i32
    %dma_start3A_142 = tpu.memref_slice %arg4[%add3A_135, %dma_start3A_141] : memref<262144x192xf32, #tpu.memory_space<hbm>> -> memref<128x192xf32, #tpu.memory_space<hbm>>
    %dma_start3A_143 = arith.constant 0 : i32
    %dma_start3A_144 = tpu.memref_slice %arg4[%add3A_135, %dma_start3A_143] : memref<262144x192xf32, #tpu.memory_space<hbm>> -> memref<128x192xf32, #tpu.memory_space<hbm>>
    %dma_start3A_145 = arith.constant 0 : i32
    %dma_start3A_146 = arith.constant 0 : i32
    %dma_start3A_147 = tpu.memref_slice %arg7[%dma_start3A_136, %dma_start3A_145, %dma_start3A_146] : memref<3x128x192xf32, #tpu.memory_space<vmem>> -> memref<1x128x192xf32, #tpu.memory_space<vmem>>
    %dma_start3A_148 = tpu.memref_squeeze %dma_start3A_147 : memref<1x128x192xf32, #tpu.memory_space<vmem>> -> memref<128x192xf32, #tpu.memory_space<vmem>>
    tpu.enqueue_dma source(%dma_start3A_148 : memref<128x192xf32, #tpu.memory_space<vmem>>) target(%dma_start3A_144 : memref<128x192xf32, #tpu.memory_space<hbm>>) target_semaphore(%arg13 : memref<!tpu.dma_semaphore, #tpu.memory_space<semaphore_mem>>)
    %add3A_149 = arith.constant 8064 : i32
    %add3A_150 = arith.addi %mul3A_2, %add3A_149 : i32
    %dma_wait3A_151 = arith.constant 0 : i32
    %dma_wait3A_152 = arith.constant 0 : i32
    %dma_wait3A_153 = arith.constant 0 : i32
    %dma_wait3A_154 = tpu.memref_slice %arg7[%dma_wait3A_151, %dma_wait3A_152, %dma_wait3A_153] : memref<3x128x192xf32, #tpu.memory_space<vmem>> -> memref<1x128x192xf32, #tpu.memory_space<vmem>>
    %dma_wait3A_155 = tpu.memref_squeeze %dma_wait3A_154 : memref<1x128x192xf32, #tpu.memory_space<vmem>> -> memref<128x192xf32, #tpu.memory_space<vmem>>
    %dma_wait3A_156 = arith.constant 0 : i32
    %dma_wait3A_157 = tpu.memref_slice %arg4[%add3A_150, %dma_wait3A_156] : memref<262144x192xf32, #tpu.memory_space<hbm>> -> memref<128x192xf32, #tpu.memory_space<hbm>>
    %dma_wait3A_158 = arith.constant 0 : i32
    %dma_wait3A_159 = tpu.memref_slice %arg4[%add3A_150, %dma_wait3A_158] : memref<262144x192xf32, #tpu.memory_space<hbm>> -> memref<128x192xf32, #tpu.memory_space<hbm>>
    %dma_wait3A_160 = arith.constant 0 : i32
    %dma_wait3A_161 = arith.constant 0 : i32
    %dma_wait3A_162 = tpu.memref_slice %arg7[%dma_wait3A_151, %dma_wait3A_160, %dma_wait3A_161] : memref<3x128x192xf32, #tpu.memory_space<vmem>> -> memref<1x128x192xf32, #tpu.memory_space<vmem>>
    %dma_wait3A_163 = tpu.memref_squeeze %dma_wait3A_162 : memref<1x128x192xf32, #tpu.memory_space<vmem>> -> memref<128x192xf32, #tpu.memory_space<vmem>>
    tpu.wait_dma2 semaphore(%arg13 : memref<!tpu.dma_semaphore, #tpu.memory_space<semaphore_mem>>) src(%dma_wait3A_163 : memref<128x192xf32, #tpu.memory_space<vmem>>) dst(%dma_wait3A_159 : memref<128x192xf32, #tpu.memory_space<hbm>>)
    return
  }
}

</mosaic_0001>

<sc_bundles>
// kernel: kernel.3.cloned.1.call-start
scs
__scs_entry_jumppad:
0x0: {  	(pc) =	sbr.rel $0x88, $3  }
0x1: {  	(tag) =	ssettag $0x0;
	lr =	simm.s32 $0x1  }
0x2: {  	[smem:$0x3F9F] =	sst lr;
	_ =	strace $0xD0000000  }
0x3: {  	_ = 	snop  }
0x4: {  	_ = 	snop  }
0x5: {  	_ = 	snop  }
0x6: {  	_ = 	snop  }
0x7: {  	_ = 	snop  }
__scs_overlays_trampoline_lowered:
0x8: {  	[smem:$0x3FAE] =	sst s0  }
0x9: {  	[smem:$0x3FAF] =	sst s1  }
0xa: {  	[smem:$0x3FB0] =	sst s2  }
0xb: {  	[smem:$0x3FB1] =	sst s3  }
0xc: {  	[smem:$0x3FB2] =	sst s4  }
0xd: {  	[smem:$0x3FB3] =	sst s5  }
0xe: {  	[smem:$0x3FB4] =	sst s6  }
0xf: {  	[smem:$0x3FB5] =	sst s7  }
0x10: {  	[smem:$0x3FB6] =	sst s8  }
0x11: {  	[smem:$0x3FB7] =	sst s9;
	s0 =	simm.s32 @!p0 $0x0  }
0x12: {  	s1 =	sld [smem:$0x3F9D];
	s0 =	simm.s32 @p0 $0x1  }
0x13: {  	[smem:$0x3FB8] =	sst s0;
	s0 =	simm.s32 @!p1 $0x0  }
0x14: {  	s2 =	sld [smem:$0x3F9C];
	s0 =	simm.s32 @p1 $0x1  }
0x15: {  	[smem:$0x3FB9] =	sst s0;
	s0 =	simm.s32 @!p2 $0x0  }
0x16: {  	s3 =	sld [smem:$0x3FDB];
	s0 =	simm.s32 @p2 $0x1  }
0x17: {  	s4 =	simm.s32 $0x1BF5;
	[smem:$0x3FBB] =	sst s0  }
0x18: {  	s0 =	sld [smem:$0x3F9E];
	_ =	swait.ge [sflag:s4], $0x0  }
0x19: {  	s7 =	sld [smem:$0x3F9F]  }
0x1a: {  	s8 =	sadd.s32 $0xFFFFE003, lr  }
0x1b: {  	s9 =	sadd.s32 $0xFFFFFEF7, lr;
	s5 =	simm.s32 $0xFFFFFFFF;
	p2 =	slt.u32 s8, $0xFFFFF086  }
0x1c: {  	p1 =	slt.u32 s9, $0xF7A;
	s5 =	simm.s32 @!p2 $0x0  }
0x1d: {  	s5 =	simm.s32 @p1 $0x1;
	p0 =	seq.s32 s7, s2  }
0x1e: {  	s7 =	smul.u32 @!p0 $0xF7A, s2;
	p2 =	seq.s32 @!p0 s5, $0x0  }
0x1f: {  	s9 =	smul.u32 $0xF7A, s1;
	s8 =	simm.s32 @!p0 $0x1BF5;
	p2 =	por !p2, p0  }
0x20: {  	[sflag:s8] =	ssyncset.s32 @!p0 $0xFFFFF086;
	s6 =	sadd.s32 @!p0 s3, s7;
	s7 =	simm.s32 @!p0 $0x108  }
0x21: {  	s3 =	sadd.s32 s3, s9;
	s6 =	sadd.s32 @!p0 $0x88, s6;
	s7 =	simm.s32 @p2 $0x1082  }
0x22: {  	[simem:s7], [sflag:s8] =	dma.local @!p0 [hbm:s6], $0xF7A  }
0x23: {  	s9 =	sor.u32 $0xD0000000, s2;
	s6 =	simm.s32 $0x108;
	_ =	swait.ge @!p0 [sflag:s8], $0x0  }
0x24: {  	s3 =	sadd.s32 $0x88, s3;
	s6 =	simm.s32 @!p1 $0x1082;
	[sflag:s4] =	ssyncset.s32 $0xFFFFF086  }
0x25: {  	[simem:s6], [sflag:s4] =	dma.local [hbm:s3], $0xF7A  }
0x26: {  	[smem:$0x3F9F] =	sst s1;
	(tag) =	ssettag s2;
	_ =	strace s9  }
0x27: {  	s1 =	sld [smem:$0x3FAF]  }
0x28: {  	s2 =	sld [smem:$0x3FB0]  }
0x29: {  	s4 =	sld [smem:$0x3FB2]  }
0x2a: {  	p0 =	seq.s32 s5, $0x0;
	s5 =	sld [smem:$0x3FB3]  }
0x2b: {  	s6 =	sld [smem:$0x3FB4]  }
0x2c: {  	s7 =	sld [smem:$0x3FB5]  }
0x2d: {  	s3 =	simm.s32 $0x108;
	s8 =	sld [smem:$0x3FB6]  }
0x2e: {  	s3 =	simm.s32 @!p0 $0x1082;
	s9 =	sld [smem:$0x3FB7]  }
0x2f: {  	lr =	sadd.s32 s0, s3;
	s0 =	sld [smem:$0x3FAE]  }
0x30: {  	s3 =	sld [smem:$0x3FB1]  }
0x31: {  	[smem:$0x3FBA] =	sst s10  }
0x32: {  	s10 =	sld [smem:$0x3FB8];
	_ =	sdelay $0x3  }
0x33: {  	p0 =	seq.s32 s10, $0x1;
	s10 =	sld [smem:$0x3FBA];
	_ =	sdelay $0x3  }
0x34: {  	[smem:$0x3FBA] =	sst s10  }
0x35: {  	s10 =	sld [smem:$0x3FB9];
	_ =	sdelay $0x3  }
0x36: {  	p1 =	seq.s32 s10, $0x1;
	s10 =	sld [smem:$0x3FBA];
	_ =	sdelay $0x3  }
0x37: {  	[smem:$0x3FBA] =	sst s10  }
0x38: {  	s10 =	sld [smem:$0x3FBB]  }
0x39: {  	_ = 	snop;
	(pc) =	sbr.ind lr, $3  }
0x3a: {  	_ = 	snop  }
0x3b: {  	_ = 	snop  }
0x3c: {  	p2 =	seq.s32 s10, $0x1;
	s10 =	sld [smem:$0x3FBA]  }
0x3d: {  	_ =	shalt  }
0x3e: {  	_ =	shalt  }
0x3f: {  	_ =	shalt  }
0x40: {  	_ =	shalt  }
0x41: {  	_ =	shalt  }
0x42: {  	_ =	shalt  }
0x43: {  	_ =	shalt  }
0x44: {  	_ =	shalt  }
0x45: {  	_ =	shalt  }
0x46: {  	_ =	shalt  }
0x47: {  	_ =	shalt  }
0x48: {  	_ =	shalt  }
0x49: {  	_ =	shalt  }
0x4a: {  	_ =	shalt  }
0x4b: {  	_ =	shalt  }
0x4c: {  	_ =	shalt  }
0x4d: {  	_ =	shalt  }
0x4e: {  	_ =	shalt  }
0x4f: {  	_ =	shalt  }
0x50: {  	_ =	shalt  }
0x51: {  	_ =	shalt  }
0x52: {  	_ =	shalt  }
0x53: {  	_ =	shalt  }
0x54: {  	_ =	shalt  }
0x55: {  	_ =	shalt  }
0x56: {  	_ =	shalt  }
0x57: {  	_ =	shalt  }
0x58: {  	_ =	shalt  }
0x59: {  	_ =	shalt  }
0x5a: {  	_ =	shalt  }
0x5b: {  	_ =	shalt  }
0x5c: {  	_ =	shalt  }
0x5d: {  	_ =	shalt  }
0x5e: {  	_ =	shalt  }
0x5f: {  	_ =	shalt  }
0x60: {  	_ =	shalt  }
0x61: {  	_ =	shalt  }
0x62: {  	_ =	shalt  }
0x63: {  	_ =	shalt  }
0x64: {  	_ =	shalt  }
0x65: {  	_ =	shalt  }
0x66: {  	_ =	shalt  }
0x67: {  	_ =	shalt  }
0x68: {  	_ =	shalt  }
0x69: {  	_ =	shalt  }
0x6a: {  	_ =	shalt  }
0x6b: {  	_ =	shalt  }
0x6c: {  	_ =	shalt  }
0x6d: {  	_ =	shalt  }
0x6e: {  	_ =	shalt  }
0x6f: {  	_ =	shalt  }
0x70: {  	_ =	shalt  }
0x71: {  	_ =	shalt  }
0x72: {  	_ =	shalt  }
0x73: {  	_ =	shalt  }
0x74: {  	_ =	shalt  }
0x75: {  	_ =	shalt  }
0x76: {  	_ =	shalt  }
0x77: {  	_ =	shalt  }
0x78: {  	_ =	shalt  }
0x79: {  	_ =	shalt  }
0x7a: {  	_ =	shalt  }
0x7b: {  	_ =	shalt  }
0x7c: {  	_ =	shalt  }
0x7d: {  	_ =	shalt  }
0x7e: {  	_ =	shalt  }
0x7f: {  	_ =	shalt  }
0x80: {  	_ =	shalt  }
0x81: {  	_ =	shalt  }
0x82: {  	_ =	shalt  }
0x83: {  	_ =	shalt  }
0x84: {  	_ =	shalt  }
0x85: {  	_ =	shalt  }
0x86: {  	_ =	shalt  }
0x87: {  	_ =	shalt  }
.Lfunc_end0:
.L_simem_size_0:
called_computation.1_lowered:
.L_overlay_start_0:
0x88: {  	s2 =	sld [smem:$0x3FD9]  }
0x89: {  	s3 =	sld [smem:$0x3FFE];
	_ =	sdelay $0x1  }
0x8a: {  	s1 =	srdreg.scid  }
0x8b: {  	s0 =	sand.u32 $0x1, s1  }
0x8c: {  	s17 =	sshll.u32 s0, $0xA;
	s2 =	sadd.s32 s3, s2  }
0x8d: {  	s2 =	sadd.s32 s2, s17  }
0x8e: {  	[smem:$0x3FC6] =	sst s2  }
0x8f: {  	_ = 	snop  }
0x90: {  	s2 =	sld [smem:$0x3FD0];
	(tm) =	ssettm $0x1  }
0x91: {  	s18 =	sld [smem:$0x3FFB];
	_ =	sdelay $0x3  }
0x92: {  	_ =	strace s18  }
0x93: {  	s3 =	sld [smem:$0x3FFC];
	_ =	sdelay $0x3  }
0x94: {  	_ =	strace s3  }
0x95: {  	s3 =	sld [smem:$0x3FFD];
	_ =	sdelay $0x3  }
0x96: {  	_ =	strace s3  }
0x97: {  	_ =	strace $0x8FFFFFFF  }
0x98: {  	s19 =	sld [smem:$0x3FDB];
	_ =	sdelay $0x1  }
0x99: {  	s4 =	simm.s32 $_scs_section_size  }
0x9a: {  	s5 =	simm.s32 $_size__tile_overlayer_lowered;
	s6 =	simm.s32 $_tile_overlayer_lowered  }
0x9b: {  	s22 =	simm.s32 $0x1BFF;
	s21 =	sshll.u32 s6, $0x1;
	s3 =	sadd.s32 s4, s19  }
0x9c: {  	s7 =	simm.s32 $0x0;
	s20 =	sshll.u32 s5, $0x1;
	s5 =	sadd.s32 s21, s3  }
0x9d: {  	[timem:s7], [sflag:s22] =	dma.local [hbm:s5], s20  }
0x9e: {  	_ =	swait.ge [sflag:s22], s20  }
0x9f: {  	s4 =	ssub.s32 $0x0, s20;
	[sflag:s22] =	ssyncset.done $0x0  }
0xa0: {  	[sflag:s22] =	ssyncadd.s32 s4;
	_ =	sdelay $0x1  }
0xa1: {  	s23 =	simm.s32 $0x1B8B  }
0xa2: {  	_ =	swait.ge [sflag:s23], $0x1  }
0xa3: {  	[sflag:s23] =	ssyncset.done $0x0  }
0xa4: {  	s25 =	simm.s32 $0x1B8E;
	s24 =	sld [smem:$0x3FFE];
	[sflag:s23] =	ssyncadd.s32 $0xFFFFFFFF  }
0xa5: {  	s26 =	simm.s32 $execute0_lowered;
	[smem:$0x3FD2] =	sst s25  }
0xa6: {  	s5 =	sshll.u32 s26, $0x1;
	_ =	strace $0x80000046;
	[dreg:$0x1] =	wrdreg $0xFFFFFFFF  }
0xa7: {  	s28 =	simm.s32 $_size_execute0_lowered;
	s3 =	sadd.s32 s3, s5;
	[dreg:$0x0] =	wrdreg $0x0  }
0xa8: {  	s5 =	sshll.u32 s28, $0x1;
	[dreg:$0x2] =	wrdreg s3  }
0xa9: {  	[dreg:$0x3] =	wrdreg s5  }
0xaa: {  	[dreg:$0x4] =	wrdreg $0xC0  }
0xab: {  	_ =	task [dreg:s7], $0x5FFFF  }
0xac: {  	[dreg:$0x1] =	wrdreg $0xFFFFFFFF  }
0xad: {  	[dreg:$0x0] =	wrdreg $0x60  }
0xae: {  	[dreg:$0x2] =	wrdreg s24  }
0xaf: {  	[dreg:$0x3] =	wrdreg s2  }
0xb0: {  	[dreg:$0x4] =	wrdreg $0x180000  }
0xb1: {  	[dreg:$0x5] =	wrdreg $0x9  }
0xb2: {  	_ =	task.clear_ibuf [dreg:s7], $0x6FFFF;
	_ =	strace $0x90000046  }
0xb3: {  	s29 =	simm.s32 $0x9;
	_ =	strace $0x80000048  }
0xb4: {  	_ =	swait.ge [sflag:s29], $0x1  }
0xb5: {  	[sflag:s29] =	ssyncadd.s32 $0xFFFFFFFF  }
0xb6: {  	_ =	strace $0x90000048  }
0xb7: {  	_ =	sfence  }
0xb8: {  	s30 =	sld [smem:$0x0];
	_ =	sdelay $0x2  }
0xb9: {  	s31 =	sshll.u32 s1, $0xD;
	s1 =	sshrl.u32 s1, $0x2  }
0xba: {  	s3 =	sand.u32 $0x4000, s31;
	s1 =	sadd.s32 s1, s30  }
0xbb: {  	s0 =	sor.u32 s3, s0;
	s1 =	sshll.u32 s1, $0x11  }
0xbc: {  	s0 =	sor.u32 s1, s0  }
0xbd: {  	s0 =	sadd.s32 $0x8F2B, s0  }
0xbe: {  	[sflag:s0] =	ssyncadd.remote.s32 $0x1  }
0xbf: {  	_ =	sfence.sel $0xFFFF  }
0xc0: {  	[dreg:$0x0] =	wrdreg $0xFFFFFFFF;
	(pc) =	sbr.abs _section_cstart, $3  }
0xc1: {  	[dreg:$0x1] =	wrdreg $0xFFFFFFFF  }
0xc2: {  	_ =	task.clear_ibuf [dreg:s7], $0x2FFFF;
	_ =	strace $0x9FFFFFFF  }
0xc3: {  	(tm) =	ssettm $0x7FFFFFFF  }
tec
execute0_lowered:
.L_overlay_start_1:
0x0: {  	(tag) =	ssettag $0x1  }
0x1: {  	s3 =	rddreg [dreg:$0x0]  }
0x2: {  	s9 =	rddreg [dreg:$0x1]  }
0x3: {  	s5 =	rddreg [dreg:$0x2]  }
0x4: {  	s0 =	rddreg [dreg:$0x3]  }
0x5: {  	s4 =	srdreg.scid;
	s1 =	stileid.u32  }
0x6: {  	s2 =	simm.s32 $0x0;
	s14 =	simm.s32 $0x1;
	s15 =	simm.s32 $0x2  }
0x7: {  	s16 =	simm.s32 $0xC000;
	s17 =	simm.s32 $0x3;
	s18 =	simm.s32 $0x12000  }
0x8: {  	s19 =	simm.s32 $0x4;
	s20 =	simm.s32 $0x0;
	s7 =	sand.u32 $0x1, s4  }
0x9: {  	s28 =	sshll.u32 s1, $0x1;
	[smem:$0x7FF] =	sst s2;
	s8 =	smul.u32 $0x6000, s1  }
0xa: {  	s31 =	smul.u32 $0x60000, s1;
	s6 =	sor.u32 s7, s28;
	_ =	strace $0x80000047  }
0xb: {  	s10 =	ssub.s32 $0x2, s7;
	s13 =	smul.u32 $0x30000, s7;
	s4 =	sshll.u32 s6, $0xB  }
0xc: {  	s11 =	sshrl.u32 s8, $0x3;
	s12 =	sshrl.u32 s10, $0x1;
	s29 =	smul.u32 $0x180000, s6  }
0xd: {  	s6 =	smul.u32 $0x30000, s6;
	s5 =	sadd.s32 s8, s5;
	s4 =	sadd.s32 s4, s3  }
0xe: {  	v0 =	vlaneseq.u32;
	s11 =	sadd.s32 s11, s3;
	s10 =	ssub.s32 s10, s12;
	s3 =	sadd.s32 $0xC800, s4  }
0xf: {  	v0 =	vand.u32 $0x7, v0;
	s4 =	sadd.s32 $0x800, s11;
	s30 =	sshrl.u32 s29, $0x3;
	s6 =	sadd.s32 s9, s6  }
0x10: {  	v0 =	vmul.u32 $0x2, v0;
	s11 =	sadd.s32 s31, s9;
	s10 =	smax.u32 s10, $0x1;
	s12 =	sadd.s32 s9, s30  }
0x11: {  	s7 =	sadd.s32 $0xC00, s6;
	s11 =	sadd.s32 s13, s11;
	s13 =	simm.s32 $0x5  }
0x12: {  	vm0 =	vmmov $0xff;
	v1 =	vor.u32 $0x1, v0;
	s8 =	sadd.s32 $0x2E800, s12;
	s9 =	sadd.s32 $0x2F400, s12;
	s12 =	simm.s32 $0x6000  }
.LBB2_1:
0x13: {  	[tilespmem:s2], [sflag:$0x1] =	stream.linear.gather [hbm4b:s3+s2], $0x4000, $0x38;
	[tilespmem:$0x1E000] =	vst v63  }
0x14: {  	_ = 	snop  }
0x15: {  	[tilespmem:s12], [sflag:$0x5] =	stream.linear.gather [hbm4b:s4+s2], $0x6000, $0x38;
	[tilespmem:$0x1E000] =	vst v63  }
0x16: {  	_ =	swait.ge [sflag:s13], $0x6000  }
0x17: {  	[sflag:s13] =	ssyncset.done $0x0  }
0x18: {  	[sflag:s13] =	ssyncadd.s32 $0xFFFFA000  }
0x19: {  	[spmem:s5] =	stream.linear.scatter [tilespmem:s12], [sflag:$0x5], $0x6000, $0x38;
	[tilespmem:$0x1E000] =	vst v63  }
0x1a: {  	_ =	swait.ge [sflag:s13], $0x6000  }
0x1b: {  	[sflag:s13] =	ssyncset.done $0x0  }
0x1c: {  	[sflag:s13] =	ssyncadd.s32 $0xFFFFA000  }
0x1d: {  	[bflag:$0x0] =	sbarrier.arrive $0xFFFF  }
0x1e: {  	_ =	swait.ge [sflag:s14], $0x4000  }
0x1f: {  	[sflag:s14] =	ssyncset.done $0x0  }
0x20: {  	s21 =	simm.s32 $0x80;
	[sflag:s14] =	ssyncadd.s32 $0xFFFFC000  }
0x21: {  	v2 =	vld [tilespmem:s21+$0xFFFFFF80]  }
0x22: {  	v3 =	vld [tilespmem:s21+$0xFFFFFF90];
	_ =	sdelay $0x4  }
0x23: {  	v4 =	vperm.xlane v2, v0;
	v5 =	vperm.xlane v3, v0  }
0x24: {  	v2 =	vperm.xlane v2, v1;
	v3 =	vperm.xlane v3, v1  }
0x25: {  	v4 =	vsel vm0, v4, v5  }
0x26: {  	v2 =	vsel vm0, v2, v3;
	v3 =	vshll.u32 v4, $0x5  }
0x27: {  	s22 =	simm.s32 $0x0;
	v2 =	vadd.s32 v3, v2  }
0x28: {  	[tilespmem:s22+$0x4000] =	vst v2  }
0x29: {  	v2 =	vld [tilespmem:s21+$0xFFFFFFA0]  }
0x2a: {  	v3 =	vld [tilespmem:s21+$0xFFFFFFB0];
	_ =	sdelay $0x4  }
0x2b: {  	v4 =	vperm.xlane v2, v0;
	v5 =	vperm.xlane v3, v0  }
0x2c: {  	v2 =	vperm.xlane v2, v1;
	v3 =	vperm.xlane v3, v1  }
0x2d: {  	v4 =	vsel vm0, v4, v5  }
0x2e: {  	v2 =	vsel vm0, v2, v3;
	v3 =	vshll.u32 v4, $0x5  }
0x2f: {  	v2 =	vadd.s32 v3, v2  }
0x30: {  	[tilespmem:s22+$0x4010] =	vst v2  }
0x31: {  	v2 =	vld [tilespmem:s21+$0xFFFFFFC0]  }
0x32: {  	v3 =	vld [tilespmem:s21+$0xFFFFFFD0];
	_ =	sdelay $0x4  }
0x33: {  	v4 =	vperm.xlane v2, v0;
	v5 =	vperm.xlane v3, v0  }
0x34: {  	v2 =	vperm.xlane v2, v1;
	v3 =	vperm.xlane v3, v1  }
0x35: {  	v4 =	vsel vm0, v4, v5  }
0x36: {  	v2 =	vsel vm0, v2, v3;
	v3 =	vshll.u32 v4, $0x5  }
0x37: {  	v2 =	vadd.s32 v3, v2  }
0x38: {  	[tilespmem:s22+$0x4020] =	vst v2  }
0x39: {  	v2 =	vld [tilespmem:s21+$0xFFFFFFE0]  }
0x3a: {  	v3 =	vld [tilespmem:s21+$0xFFFFFFF0];
	_ =	sdelay $0x4  }
0x3b: {  	v4 =	vperm.xlane v2, v0;
	v5 =	vperm.xlane v3, v0  }
0x3c: {  	v2 =	vperm.xlane v2, v1;
	v3 =	vperm.xlane v3, v1  }
0x3d: {  	v4 =	vsel vm0, v4, v5  }
0x3e: {  	v2 =	vsel vm0, v2, v3;
	v3 =	vshll.u32 v4, $0x5  }
0x3f: {  	v2 =	vadd.s32 v3, v2  }
0x40: {  	[tilespmem:s22+$0x4030] =	vst v2  }
0x41: {  	v2 =	vld [tilespmem:s21+$0x0]  }
0x42: {  	v3 =	vld [tilespmem:s21+$0x10];
	_ =	sdelay $0x4  }
0x43: {  	v4 =	vperm.xlane v2, v0;
	v5 =	vperm.xlane v3, v0  }
0x44: {  	v2 =	vperm.xlane v2, v1;
	v3 =	vperm.xlane v3, v1  }
0x45: {  	v4 =	vsel vm0, v4, v5  }
0x46: {  	v2 =	vsel vm0, v2, v3;
	v3 =	vshll.u32 v4, $0x5  }
0x47: {  	v2 =	vadd.s32 v3, v2  }
0x48: {  	[tilespmem:s22+$0x4040] =	vst v2  }
0x49: {  	v2 =	vld [tilespmem:s21+$0x20]  }
0x4a: {  	v3 =	vld [tilespmem:s21+$0x30];
	_ =	sdelay $0x4  }
0x4b: {  	v4 =	vperm.xlane v2, v0;
	v5 =	vperm.xlane v3, v0  }
0x4c: {  	v2 =	vperm.xlane v2, v1;
	v3 =	vperm.xlane v3, v1  }
0x4d: {  	v4 =	vsel vm0, v4, v5  }
0x4e: {  	v2 =	vsel vm0, v2, v3;
	v3 =	vshll.u32 v4, $0x5  }
0x4f: {  	v2 =	vadd.s32 v3, v2  }
0x50: {  	[tilespmem:s22+$0x4050] =	vst v2  }
0x51: {  	v2 =	vld [tilespmem:s21+$0x40]  }
0x52: {  	v3 =	vld [tilespmem:s21+$0x50];
	_ =	sdelay $0x4  }
0x53: {  	v4 =	vperm.xlane v2, v0;
	v5 =	vperm.xlane v3, v0  }
0x54: {  	v2 =	vperm.xlane v2, v1;
	v3 =	vperm.xlane v3, v1  }
0x55: {  	v4 =	vsel vm0, v4, v5  }
0x56: {  	v2 =	vsel vm0, v2, v3;
	v3 =	vshll.u32 v4, $0x5  }
0x57: {  	v2 =	vadd.s32 v3, v2  }
0x58: {  	[tilespmem:s22+$0x4060] =	vst v2  }
0x59: {  	v2 =	vld [tilespmem:s21+$0x60]  }
0x5a: {  	s23 =	simm.s32 $0x200;
	v3 =	vld [tilespmem:s21+$0x70]  }
.LBB2_2:
0x5b: {  	_ = 	snop  }
0x5c: {  	p0 =	sne.s32 s23, $0x7E00  }
0x5d: {  	s21 =	sadd.s32 $0x100, s21;
	s24 =	smov.u32 s23;
	s23 =	sadd.s32 $0x200, s23  }
0x5e: {  	v4 =	vperm.xlane v2, v0;
	v2 =	vperm.xlane v2, v1  }
0x5f: {  	v5 =	vperm.xlane v3, v0;
	v3 =	vperm.xlane v3, v1;
	_ =	sdelay $0x1  }
0x60: {  	v4 =	vsel vm0, v4, v5;
	v2 =	vsel vm0, v2, v3  }
0x61: {  	v3 =	vshll.u32 v4, $0x5  }
0x62: {  	v2 =	vadd.s32 v3, v2  }
0x63: {  	[tilespmem:s22+$0x4070] =	vst v2  }
0x64: {  	v2 =	vld [tilespmem:s21+$0xFFFFFF80]  }
0x65: {  	v3 =	vld [tilespmem:s21+$0xFFFFFF90];
	_ =	sdelay $0x4  }
0x66: {  	v4 =	vperm.xlane v2, v0;
	v5 =	vperm.xlane v3, v0  }
0x67: {  	v2 =	vperm.xlane v2, v1;
	v3 =	vperm.xlane v3, v1  }
0x68: {  	v4 =	vsel vm0, v4, v5  }
0x69: {  	v2 =	vsel vm0, v2, v3;
	v3 =	vshll.u32 v4, $0x5  }
0x6a: {  	s22 =	sshra.s32 s24, $0x2;
	v2 =	vadd.s32 v3, v2  }
0x6b: {  	[tilespmem:s22+$0x4000] =	vst v2  }
0x6c: {  	v2 =	vld [tilespmem:s21+$0xFFFFFFA0]  }
0x6d: {  	v3 =	vld [tilespmem:s21+$0xFFFFFFB0];
	_ =	sdelay $0x3  }
0x6e: {  	v4 =	vperm.xlane v2, v0;
	v2 =	vperm.xlane v2, v1  }
0x6f: {  	v5 =	vperm.xlane v3, v0;
	v3 =	vperm.xlane v3, v1;
	_ =	sdelay $0x1  }
0x70: {  	v4 =	vsel vm0, v4, v5;
	v2 =	vsel vm0, v2, v3  }
0x71: {  	v3 =	vshll.u32 v4, $0x5  }
0x72: {  	v2 =	vadd.s32 v3, v2  }
0x73: {  	[tilespmem:s22+$0x4010] =	vst v2  }
0x74: {  	v2 =	vld [tilespmem:s21+$0xFFFFFFC0]  }
0x75: {  	v3 =	vld [tilespmem:s21+$0xFFFFFFD0];
	_ =	sdelay $0x3  }
0x76: {  	v4 =	vperm.xlane v2, v0;
	v2 =	vperm.xlane v2, v1  }
0x77: {  	v5 =	vperm.xlane v3, v0;
	v3 =	vperm.xlane v3, v1;
	_ =	sdelay $0x1  }
0x78: {  	v4 =	vsel vm0, v4, v5;
	v2 =	vsel vm0, v2, v3  }
0x79: {  	v3 =	vshll.u32 v4, $0x5  }
0x7a: {  	v2 =	vadd.s32 v3, v2  }
0x7b: {  	[tilespmem:s22+$0x4020] =	vst v2  }
0x7c: {  	v2 =	vld [tilespmem:s21+$0xFFFFFFE0]  }
0x7d: {  	v3 =	vld [tilespmem:s21+$0xFFFFFFF0];
	_ =	sdelay $0x3  }
0x7e: {  	v4 =	vperm.xlane v2, v0;
	v2 =	vperm.xlane v2, v1  }
0x7f: {  	v5 =	vperm.xlane v3, v0;
	v3 =	vperm.xlane v3, v1;
	_ =	sdelay $0x1  }
0x80: {  	v4 =	vsel vm0, v4, v5;
	v2 =	vsel vm0, v2, v3  }
0x81: {  	v3 =	vshll.u32 v4, $0x5  }
0x82: {  	v2 =	vadd.s32 v3, v2  }
0x83: {  	[tilespmem:s22+$0x4030] =	vst v2  }
0x84: {  	v2 =	vld [tilespmem:s21+$0x0]  }
0x85: {  	v3 =	vld [tilespmem:s21+$0x10];
	_ =	sdelay $0x3  }
0x86: {  	v4 =	vperm.xlane v2, v0;
	v2 =	vperm.xlane v2, v1  }
0x87: {  	v5 =	vperm.xlane v3, v0;
	v3 =	vperm.xlane v3, v1;
	_ =	sdelay $0x1  }
0x88: {  	v4 =	vsel vm0, v4, v5;
	v2 =	vsel vm0, v2, v3  }
0x89: {  	v3 =	vshll.u32 v4, $0x5  }
0x8a: {  	v2 =	vadd.s32 v3, v2  }
0x8b: {  	[tilespmem:s22+$0x4040] =	vst v2  }
0x8c: {  	v2 =	vld [tilespmem:s21+$0x20]  }
0x8d: {  	v3 =	vld [tilespmem:s21+$0x30];
	_ =	sdelay $0x3  }
0x8e: {  	v4 =	vperm.xlane v2, v0;
	v2 =	vperm.xlane v2, v1  }
0x8f: {  	v5 =	vperm.xlane v3, v0;
	v3 =	vperm.xlane v3, v1;
	_ =	sdelay $0x1  }
0x90: {  	v4 =	vsel vm0, v4, v5;
	v2 =	vsel vm0, v2, v3  }
0x91: {  	v3 =	vshll.u32 v4, $0x5  }
0x92: {  	v2 =	vadd.s32 v3, v2  }
0x93: {  	[tilespmem:s22+$0x4050] =	vst v2  }
0x94: {  	v2 =	vld [tilespmem:s21+$0x40]  }
0x95: {  	v3 =	vld [tilespmem:s21+$0x50];
	_ =	sdelay $0x3  }
0x96: {  	v4 =	vperm.xlane v2, v0;
	v2 =	vperm.xlane v2, v1  }
0x97: {  	v5 =	vperm.xlane v3, v0;
	v3 =	vperm.xlane v3, v1;
	_ =	sdelay $0x1  }
0x98: {  	v4 =	vsel vm0, v4, v5;
	v2 =	vsel vm0, v2, v3  }
.Ltmp0:
0x99: {  	v3 =	vshll.u32 v4, $0x5;
	(pc) =	sbr.rel @p0 .LBB2_2-.Ltmp0, $4  }
0x9a: {  	v2 =	vadd.s32 v3, v2  }
0x9b: {  	[tilespmem:s22+$0x4060] =	vst v2  }
0x9c: {  	v2 =	vld [tilespmem:s21+$0x60]  }
0x9d: {  	v3 =	vld [tilespmem:s21+$0x70]  }
0x9e: {  	_ =	sdelay $0x3  }
0x9f: {  	v4 =	vperm.xlane v2, v0;
	v5 =	vperm.xlane v3, v0  }
0xa0: {  	v2 =	vperm.xlane v2, v1;
	v3 =	vperm.xlane v3, v1  }
0xa1: {  	v4 =	vsel vm0, v4, v5  }
0xa2: {  	v2 =	vsel vm0, v2, v3;
	v3 =	vshll.u32 v4, $0x5  }
0xa3: {  	v2 =	vadd.s32 v3, v2  }
0xa4: {  	[tilespmem:s22+$0x4070] =	vst v2  }
0xa5: {  	[hbm4b:s6+s2] =	stream.linear.scatter [tilespmem:s12], [sflag:$0x2], $0x6000, $0x38;
	[tilespmem:$0x1E000] =	vst v63  }
0xa6: {  	_ =	swait.ge [sflag:s15], $0x6000  }
0xa7: {  	[sflag:s15] =	ssyncset.done $0x0  }
0xa8: {  	[sflag:s15] =	ssyncadd.s32 $0xFFFFA000  }
0xa9: {  	[hbm4b:s7+s2] =	stream.linear.scatter [tilespmem:s16], [sflag:$0x3], $0x6000, $0x38;
	[tilespmem:$0x1E000] =	vst v63  }
0xaa: {  	_ =	swait.ge [sflag:s17], $0x6000  }
0xab: {  	s30 =	sadd.s32 $0xFFFD3000, s11;
	[sflag:s17] =	ssyncset.done $0x0  }
0xac: {  	s21 =	sadd.s32 $0x2E800, s30;
	[sflag:s17] =	ssyncadd.s32 $0xFFFFA000  }
0xad: {  	[hbm4b:s21+s2] =	stream.linear.scatter [tilespmem:s18], [sflag:$0x4], $0x6000, $0x38;
	[tilespmem:$0x1E000] =	vst v63  }
0xae: {  	_ =	swait.ge [sflag:s19], $0x6000  }
0xaf: {  	[sflag:s19] =	ssyncset.done $0x0  }
0xb0: {  	s31 =	sadd.s32 $0x2F400, s30;
	[sflag:s19] =	ssyncadd.s32 $0xFFFFA000  }
0xb1: {  	[hbm4b:s31+s2] =	stream.linear.scatter [tilespmem:s12], [sflag:$0x2], $0x6000, $0x38;
	[tilespmem:$0x1E000] =	vst v63  }
0xb2: {  	_ =	swait.ge [sflag:s15], $0x6000  }
0xb3: {  	[sflag:s15] =	ssyncset.done $0x0  }
0xb4: {  	s22 =	sadd.s32 $0x30000, s30;
	s21 =	simm.s32 $0xFFFD5400;
	[sflag:s15] =	ssyncadd.s32 $0xFFFFA000  }
.LBB2_4:
0xb5: {  	[hbm4b:s22+s2] =	stream.linear.scatter [tilespmem:s16], [sflag:$0x3], $0x6000, $0x38;
	[tilespmem:$0x1E000] =	vst v63  }
0xb6: {  	s22 =	smov.u32 s21  }
0xb7: {  	p0 =	sne.s32 s21, $0xFFFFDC00;
	s21 =	sadd.s32 $0x2400, s21;
	_ =	swait.ge [sflag:s17], $0x6000  }
0xb8: {  	s22 =	sadd.s32 s22, s11;
	[sflag:s17] =	ssyncset.done $0x0  }
0xb9: {  	s23 =	sadd.s32 $0x2E800, s22;
	[sflag:s17] =	ssyncadd.s32 $0xFFFFA000  }
0xba: {  	[hbm4b:s23+s2] =	stream.linear.scatter [tilespmem:s18], [sflag:$0x4], $0x6000, $0x38;
	[tilespmem:$0x1E000] =	vst v63  }
0xbb: {  	_ =	swait.ge [sflag:s19], $0x6000  }
0xbc: {  	[sflag:s19] =	ssyncset.done $0x0  }
.Ltmp1:
0xbd: {  	s23 =	sadd.s32 $0x2F400, s22;
	[sflag:s19] =	ssyncadd.s32 $0xFFFFA000;
	(pc) =	sbr.rel @p0 .LBB2_4-.Ltmp1, $4  }
0xbe: {  	[hbm4b:s23+s2] =	stream.linear.scatter [tilespmem:s12], [sflag:$0x2], $0x6000, $0x38;
	[tilespmem:$0x1E000] =	vst v63  }
0xbf: {  	_ =	swait.ge [sflag:s15], $0x6000  }
0xc0: {  	[sflag:s15] =	ssyncset.done $0x0  }
0xc1: {  	s22 =	sadd.s32 $0x30000, s22;
	[sflag:s15] =	ssyncadd.s32 $0xFFFFA000  }
0xc2: {  	[hbm4b:s22+s2] =	stream.linear.scatter [tilespmem:s16], [sflag:$0x3], $0x6000, $0x38;
	[tilespmem:$0x1E000] =	vst v63  }
0xc3: {  	_ =	swait.ge [sflag:s17], $0x6000  }
0xc4: {  	[sflag:s17] =	ssyncset.done $0x0  }
0xc5: {  	[sflag:s17] =	ssyncadd.s32 $0xFFFFA000  }
0xc6: {  	[hbm4b:s8+s2] =	stream.linear.scatter [tilespmem:s18], [sflag:$0x4], $0x6000, $0x38;
	[tilespmem:$0x1E000] =	vst v63  }
0xc7: {  	s20 =	sadd.s32 $0x1, s20;
	_ =	swait.ge [sflag:s19], $0x6000  }
0xc8: {  	p0 =	sne.s32 s20, s10;
	[sflag:s19] =	ssyncset.done $0x0  }
.Ltmp2:
0xc9: {  	[sflag:s19] =	ssyncadd.s32 $0xFFFFA000;
	(pc) =	sbr.rel @p0 .LBB2_1-.Ltmp2, $4  }
0xca: {  	[hbm4b:s9+s2] =	stream.linear.scatter [tilespmem:s12], [sflag:$0x2], $0x6000, $0x38;
	[tilespmem:$0x1E000] =	vst v63  }
0xcb: {  	_ =	swait.ge [sflag:s15], $0x6000  }
0xcc: {  	[sflag:s15] =	ssyncset.done $0x0  }
0xcd: {  	[sflag:s15] =	ssyncadd.s32 $0xFFFFA000  }
0xce: {  	_ =	sfence.sel $0x180000  }
0xcf: {  	[bflag:$0x0] =	sbarrier.arrive $0xFFFF  }
0xd0: {  	p0 =	sne.s32 s1, $0x0;
	_ =	strace $0x90000047  }
0xd1: {  	s0 =	sadd.s32 @!p0 $0x100000, s0;
	[bflag:$0x2] =	sbarrier.arrive $0xFFFF  }
0xd2: {  	[sflag:s0] =	ssyncadd.tile.s32 @!p0 $0x1;
	_ =	shalt  }
.Lfunc_end2:
_tile_overlayer_lowered:
.L_overlay_start_2:
0xd3: {  	(tag) =	ssettag $0x2  }
0xd4: {  	s0 =	rddreg [dreg:$0x0];
	s2 =	stileid.u32  }
0xd5: {  	s1 =	rddreg [dreg:$0x1];
	p0 =	sne.s32 s2, $0x0  }
0xd6: {  	s3 =	rddreg [dreg:$0x2];
	[bflag:$0x3] =	sbarrier.arrive $0xFFFF;
	s2 =	simm.s32 @!p0 $0x1C05  }
0xd7: {  	[timem:s3], [sflag:s2] =	dma.local @!p0 [hbm:s0], s1  }
0xd8: {  	s0 =	simm.s32 @!p0 $0x5  }
0xd9: {  	_ =	swait.ge @!p0 [sflag:s0], s1  }
0xda: {  	s1 =	ssub.s32 @!p0 $0x0, s1;
	[sflag:s0] =	ssyncset.done @!p0 $0x0  }
0xdb: {  	[sflag:s0] =	ssyncadd.s32 @!p0 s1  }
0xdc: {  	[bflag:$0x3] =	sbarrier.arrive $0xFFFF  }
0xdd: {  	_ =	shalt  }

// kernel: sparse-core-data-format-call.cloned.1.call-start
scs
called_computation_lowered:
.L_overlay_start_0:
0x0: {  	s2 =	sld [smem:$0x3FD9]  }
0x1: {  	s3 =	sld [smem:$0x3FFE];
	_ =	sdelay $0x1  }
0x2: {  	s1 =	srdreg.scid  }
0x3: {  	s0 =	sand.u32 $0x1, s1  }
0x4: {  	s18 =	sshll.u32 s0, $0xA;
	s2 =	sadd.s32 s3, s2  }
0x5: {  	s2 =	sadd.s32 s2, s18  }
0x6: {  	[smem:$0x3FC6] =	sst s2  }
0x7: {  	_ = 	snop  }
0x8: {  	s2 =	sld [smem:$0x3FD0];
	(tm) =	ssettm $0x1  }
0x9: {  	s19 =	sld [smem:$0x3FFB];
	_ =	sdelay $0x3  }
0xa: {  	_ =	strace s19  }
0xb: {  	s3 =	sld [smem:$0x3FFC];
	_ =	sdelay $0x3  }
0xc: {  	_ =	strace s3  }
0xd: {  	s3 =	sld [smem:$0x3FFD];
	_ =	sdelay $0x3  }
0xe: {  	_ =	strace s3  }
0xf: {  	_ =	strace $0x8FFFFFFF  }
0x10: {  	s20 =	sld [smem:$0x3FDB];
	_ =	sdelay $0x1  }
0x11: {  	s4 =	simm.s32 $_scs_section_size  }
0x12: {  	s5 =	simm.s32 $_size__tile_overlayer_lowered;
	s6 =	simm.s32 $_tile_overlayer_lowered  }
0x13: {  	s23 =	simm.s32 $0x1BFF;
	s22 =	sshll.u32 s6, $0x1;
	s3 =	sadd.s32 s4, s20  }
0x14: {  	s7 =	simm.s32 $0x0;
	s21 =	sshll.u32 s5, $0x1;
	s5 =	sadd.s32 s22, s3  }
0x15: {  	[timem:s7], [sflag:s23] =	dma.local [hbm:s5], s21  }
0x16: {  	_ =	swait.ge [sflag:s23], s21  }
0x17: {  	s4 =	ssub.s32 $0x0, s21;
	[sflag:s23] =	ssyncset.done $0x0  }
0x18: {  	[sflag:s23] =	ssyncadd.s32 s4;
	_ =	sdelay $0x1  }
0x19: {  	s24 =	simm.s32 $0x1B8B  }
0x1a: {  	_ =	swait.ge [sflag:s24], $0x1  }
0x1b: {  	[sflag:s24] =	ssyncset.done $0x0  }
0x1c: {  	s26 =	simm.s32 $0x1B8E;
	s25 =	sld [smem:$0x3FFE];
	[sflag:s24] =	ssyncadd.s32 $0xFFFFFFFF  }
0x1d: {  	s27 =	simm.s32 $execute0_lowered;
	[smem:$0x3FD2] =	sst s26  }
0x1e: {  	s5 =	sshll.u32 s27, $0x1;
	_ =	strace $0x80000049;
	[dreg:$0x1] =	wrdreg $0xFFFFFFFF  }
0x1f: {  	s28 =	simm.s32 $_size_execute0_lowered;
	s3 =	sadd.s32 s3, s5;
	[dreg:$0x0] =	wrdreg $0x0  }
0x20: {  	s5 =	sshll.u32 s28, $0x1;
	[dreg:$0x2] =	wrdreg s3  }
0x21: {  	[dreg:$0x3] =	wrdreg s5  }
0x22: {  	[dreg:$0x4] =	wrdreg $0xC0  }
0x23: {  	_ =	task [dreg:s7], $0x5FFFF  }
0x24: {  	[dreg:$0x1] =	wrdreg $0xFFFFFFFF  }
0x25: {  	[dreg:$0x0] =	wrdreg $0x60  }
0x26: {  	[dreg:$0x2] =	wrdreg s25  }
0x27: {  	[dreg:$0x3] =	wrdreg s2  }
0x28: {  	[dreg:$0x4] =	wrdreg $0x9  }
0x29: {  	_ =	task.clear_ibuf [dreg:s7], $0x5FFFF;
	_ =	strace $0x90000049  }
0x2a: {  	s29 =	simm.s32 $0x9;
	_ =	strace $0x8000004B  }
0x2b: {  	_ =	swait.ge [sflag:s29], $0x1  }
0x2c: {  	[sflag:s29] =	ssyncadd.s32 $0xFFFFFFFF  }
0x2d: {  	_ =	strace $0x9000004B  }
0x2e: {  	_ =	sfence  }
0x2f: {  	s30 =	sld [smem:$0x0];
	_ =	sdelay $0x2  }
0x30: {  	s31 =	sshll.u32 s1, $0xD;
	s1 =	sshrl.u32 s1, $0x2  }
0x31: {  	s3 =	sand.u32 $0x4000, s31;
	s1 =	sadd.s32 s1, s30  }
0x32: {  	s0 =	sor.u32 s3, s0;
	s1 =	sshll.u32 s1, $0x11  }
0x33: {  	s0 =	sor.u32 s1, s0  }
0x34: {  	s0 =	sadd.s32 $0x8F2B, s0  }
0x35: {  	[sflag:s0] =	ssyncadd.remote.s32 $0x1  }
0x36: {  	_ =	sfence.sel $0xFFFF  }
0x37: {  	[dreg:$0x0] =	wrdreg $0xFFFFFFFF;
	(pc) =	sbr.abs _section_cstart, $3  }
0x38: {  	[dreg:$0x1] =	wrdreg $0xFFFFFFFF  }
0x39: {  	_ =	task.clear_ibuf [dreg:s7], $0x2FFFF;
	_ =	strace $0x9FFFFFFF  }
0x3a: {  	(tm) =	ssettm $0x7FFFFFFF  }
0x3b: {  	_ =	shalt  }
tec
execute0_lowered:
.L_overlay_start_1:
0x0: {  	(tag) =	ssettag $0x1  }
0x1: {  	s5 =	rddreg [dreg:$0x0]  }
0x2: {  	s0 =	srdreg.scid;
	s3 =	rddreg [dreg:$0x1];
	s7 =	simm.s32 $0x1  }
0x3: {  	s8 =	simm.s32 $0x2;
	s15 =	simm.s32 $0x0;
	s1 =	sshll.u32 s0, $0x4  }
0x4: {  	s14 =	simm.s32 $0x0;
	s0 =	stileid.u32;
	s1 =	sand.u32 $0x10, s1  }
0x5: {  	s9 =	simm.s32 $0x0;
	s10 =	simm.s32 $0x0;
	s1 =	sor.u32 s0, s1  }
0x6: {  	s11 =	simm.s32 $0x0;
	s13 =	simm.s32 $0x0;
	s2 =	sshll.u32 s1, $0x7  }
0x7: {  	s5 =	sadd.s32 $0x800, s5;
	s1 =	rddreg [dreg:$0x2];
	s6 =	ssub.s32 $0x40000, s2  }
.Ltmp0:
0x8: {  	_ =	strace $0x8000004A;
	s4 =	sand.u32 $0xF80, s6;
	(pc) =	sbr.rel .LBB1_1-.Ltmp0, $4  }
0x9: {  	s12 =	smov.u32 s2;
	p0 =	sne.s32 s4, $0x0;
	s4 =	simm.s32 $0x1  }
0xa: {  	s6 =	sshrl.u32 s6, $0xC;
	s7 =	simm.s32 @!p0 $0x0;
	[sflag:s4] =	ssyncpa.u1 $0x0  }
0xb: {  	p0 =	por $0x0, $0x0;
	s7 =	sadd.s32 s7, s6;
	[sflag:s8] =	ssyncpa.u1 $0x0  }
0xc: {  	s8 =	simm.s32 $0x200000;
	s6 =	sshll.u32 s7, $0x1;
	s7 =	sshllo.u32 s7, $0x1  }
.LBB1_4:
0xd: {  	s21 =	sshll.u32 s9, $0x12;
	s22 =	sshll.u32 s10, $0x3;
	s20 =	sshra.s32 s20, $0x2  }
0xe: {  	s28 =	sand.u32 $0x78, s10;
	s29 =	sshll.u32 s9, $0x7;
	p1 =	sgt.s32 s9, $0x40  }
0xf: {  	s25 =	sshra.s32 s9, $0x1F;
	s31 =	sshra.s32 s10, $0x1F;
	s21 =	sand.u32 $0xFFE00000, s21  }
0x10: {  	s23 =	sand.u32 $0xFFFFFC00, s22;
	s19 =	sadd.s32 s20, s19;
	s22 =	sand.u32 $0x3FC00, s22  }
0x11: {  	v5 =	vld [tilespmem:s17+$0xFFFFFFD0];
	[tilespmem:s18+$0x2040 ss:$0x81] =	vst.msk $0xffff, v4;
	s25 =	sand.u32 s25, s9;
	s27 =	sadd.s32 s23, s21;
	s23 =	sand.u32 $0x380, s29  }
0x12: {  	v58 =	vld [tilespmem:s17+$0xFFFFFFE0];
	[tilespmem:s18+$0x2850 ss:$0x81] =	vst.msk $0xffff, v3;
	s21 =	sor.u32 s28, s22;
	s22 =	smov.u32 s9;
	s20 =	sshrl.u32 s27, $0x12  }
0x13: {  	v59 =	vld [tilespmem:s17+$0xFFFFFFF0];
	[tilespmem:s18+$0x3060 ss:$0x81] =	vst.msk $0xffff, v2;
	s22 =	simm.s32 @!p1 $0x40;
	p1 =	sgt.s32 s10, $0x3FF80;
	s24 =	smul.u32 $0x2AAB, s20  }
0x14: {  	v60 =	vld [tilespmem:s17+$0x0];
	[tilespmem:s18+$0x0 ss:$0x81] =	vst.msk $0xffff, v1;
	s21 =	sor.u32 s23, s21;
	s30 =	ssub.s32 s22, s25;
	s22 =	smov.u32 s10  }
0x15: {  	v61 =	vld [tilespmem:s17+$0x10];
	[tilespmem:s19+$0x3870 ss:$0x81] =	vst.msk $0xffff, v0;
	s25 =	sand.u32 s31, s10;
	s22 =	simm.s32 @!p1 $0x3FF80;
	s24 =	sshrl.u32 s24, $0x15  }
0x16: {  	v62 =	vld [tilespmem:s17+$0x20];
	[tilespmem:s19+$0x810 ss:$0x81] =	vst.msk $0xffff, v5;
	s26 =	sadd.s32 $0xFFFFFFC0, s30;
	s22 =	ssub.s32 s22, s25;
	s24 =	smul.u32 $0xC0, s24  }
0x17: {  	v63 =	vld [tilespmem:s17+$0xFFFFFFC0];
	[tilespmem:s19+$0x1020 ss:$0x81] =	vst.msk $0xffff, v58;
	s18 =	ssub.s32 $0xC0, s30;
	p1 =	sgt.s32 s26, $0x7F;
	s28 =	sadd.s32 $0xFFFC0080, s22  }
0x18: {  	[tilespmem:s19+$0x1830 ss:$0x81] =	vst.msk $0xffff, v59;
	p2 =	sgt.s32 s28, $0x7F;
	s27 =	ssub.s32 s20, s24;
	s20 =	ssub.s32 $0x40000, s22  }
0x19: {  	s29 =	sshrl.u32 s21, $0x3;
	[tilespmem:s19+$0x2040 ss:$0x81] =	vst.msk $0xffff, v60;
	s18 =	simm.s32 @p1 $0x0;
	s20 =	simm.s32 @p2 $0x0  }
0x1a: {  	[tilespmem:s19+$0x2850 ss:$0x81] =	vst.msk $0xffff, v61;
	s30 =	sand.u32 $0x7, s10;
	s17 =	sand.u32 $0xFFFF, s27;
	s18 =	smul.u32 s20, s18  }
0x1b: {  	[tilespmem:s19+$0x3060 ss:$0x81] =	vst.msk $0xffff, v62;
	s21 =	sshll.u32 s30, $0x12;
	s17 =	sshll.u32 s17, $0xF;
	s20 =	sadd.s32 s3, s29  }
0x1c: {  	[tilespmem:s19+$0x0 ss:$0x81] =	vst.msk $0xffff, v63;
	s31 =	sor.u32 $0x400, s21;
	s17 =	sadd.s32 s17, s20;
	s18 =	sand.u32 $0x3FFFFFFF, s18  }
0x1d: {  	[hbm4b:s17+s31] =	stream.strided.scatter [tilespmem:s16], [sflag:$0x2], s18, s8, s31, $0x20;
	[tilespmem:$0x10100] =	vst v63  }
.LBB1_5:
0x1e: {  	p1 =	slt.u32 s13, $0x2  }
0x1f: {  	s17 =	smov.u32 s15;
	p2 =	sgt.s32 @!p1 s15, $0x40;
	s16 =	sshra.s32 @!p1 s15, $0x1F  }
0x20: {  	p3 =	sgt.s32 @!p1 s14, $0x3FF80;
	s18 =	sshra.s32 @!p1 s14, $0x1F;
	p2 =	por !p2, p1  }
0x21: {  	s15 =	sand.u32 @!p1 s16, s15;
	p3 =	por !p3, p1;
	s16 =	smov.u32 s14  }
0x22: {  	s14 =	sand.u32 @!p1 s18, s14;
	s17 =	simm.s32 @p2 $0x40;
	s16 =	simm.s32 @p3 $0x3FF80  }
0x23: {  	s15 =	ssub.s32 @!p1 s17, s15;
	s14 =	ssub.s32 @!p1 s16, s14  }
0x24: {  	s18 =	smov.u32 s12;
	s16 =	sadd.s32 @!p1 $0xFFFFFFC0, s15;
	s17 =	sadd.s32 @!p1 $0xFFFC0080, s14  }
0x25: {  	s15 =	ssub.s32 @!p1 $0xC0, s15;
	p2 =	sgt.s32 @!p1 s16, $0x7F;
	p3 =	sgt.s32 @!p1 s17, $0x7F  }
0x26: {  	s14 =	ssub.s32 @!p1 $0x40000, s14;
	p2 =	por !p2, p1;
	p3 =	por !p3, p1  }
0x27: {  	s16 =	sadd.s32 $0x80, s11;
	s15 =	simm.s32 @!p2 $0x0;
	s14 =	simm.s32 @!p3 $0x0  }
0x28: {  	p2 =	sgt.s32 s16, $0xBF;
	s14 =	smul.u32 @!p1 s14, s15;
	s15 =	sadd.s32 $0x1000, s12  }
0x29: {  	s18 =	smov.u32 @p2 s15  }
0x2a: {  	s16 =	simm.s32 @p2 $0x0;
	p2 =	sgt.s32 s18, $0x3FFFF  }
0x2b: {  	s18 =	smov.u32 @p2 s2;
	p2 =	sne.s32 s13, s7  }
.Ltmp1:
0x2c: {  	p0 =	por !p0, !p0;
	s17 =	simm.s32 @!p1 $0x2;
	(pc) =	sbr.rel @!p2 .LBB1_6-.Ltmp1, $4  }
0x2d: {  	s15 =	smov.u32 s9;
	s9 =	smov.u32 s11;
	s14 =	sand.u32 @!p1 $0x3FFFFFFF, s14  }
0x2e: {  	s11 =	smov.u32 s16;
	_ =	swait.ge @!p1 [sflag:s17], s14;
	s19 =	ssub.s32 @!p1 $0x0, s14  }
0x2f: {  	s14 =	smov.u32 s10;
	s13 =	sadd.s32 $0x1, s13;
	[sflag:s17] =	ssyncset.done @!p1 $0x0  }
0x30: {  	s10 =	smov.u32 s12;
	s12 =	smov.u32 s18;
	[sflag:s17] =	ssyncadd.s32 @!p1 s19  }
.LBB1_1:
0x31: {  	p1 =	sge.u32 s13, s6  }
0x32: {  	s31 =	sadd.s32 $0xFFFFFFFF, s13;
	s16 =	sshll.u32 @!p1 s12, $0x8  }
0x33: {  	s17 =	sshll.u32 @!p1 s11, $0x3;
	s18 =	sshll.u32 @!p1 s12, $0x7;
	s16 =	sand.u32 @!p1 $0x3FFF800, s16  }
0x34: {  	s19 =	sand.u32 @!p1 $0x78, s11;
	s16 =	sadd.s32 @!p1 s16, s17;
	s17 =	sand.u32 @!p1 $0x380, s18  }
0x35: {  	s18 =	sxor.u32 @!p1 $0xFFFFFFFF, s13;
	s16 =	sand.u32 @!p1 $0x3FFFC00, s16;
	s17 =	sor.u32 @!p1 s17, s19  }
0x36: {  	s18 =	sshll.u32 @!p1 s18, $0xE;
	s16 =	sor.u32 @!p1 s16, s17;
	s17 =	sand.u32 @!p1 $0x7, s11  }
0x37: {  	s19 =	simm.s32 @!p1 $0x800;
	s16 =	sshrl.u32 @!p1 s16, $0x3;
	s17 =	sshll.u32 @!p1 s17, $0x12  }
0x38: {  	s18 =	sand.u32 @!p1 $0x4000, s18;
	s16 =	sadd.s32 @!p1 s5, s16;
	s17 =	sor.u32 @!p1 $0x400, s17  }
0x39: {  	[tilespmem:s18], [sflag:$0x1] =	stream.strided.gather @!p1 [hbm4b:s16+s17], $0x4000, s19, s17, $0x38;
	[tilespmem:$0x10100] =	vst v63  }
0x3a: {  	p1 =	sge.u32 s31, s6  }
.Ltmp2:
0x3b: {  	_ = 	snop;
	(pc) =	sbr.rel @p1 .LBB1_5-.Ltmp2, $1  }
0x3c: {  	_ =	sdelay $0x3  }
0x3d: {  	s16 =	simm.s32 $0x1  }
0x3e: {  	_ =	swait.ge [sflag:s4], $0x4000;
	s16 =	simm.s32 @!p0 $0x0  }
0x3f: {  	[sflag:s4] =	ssyncset.done $0x0;
	s17 =	sshll.u32 s16, $0xE  }
0x40: {  	[sflag:s4] =	ssyncadd.s32 $0xFFFFC000;
	s17 =	sor.u32 $0x40, s17  }
0x41: {  	s16 =	smul.u32 $0x10200, s16;
	v0 =	vld [tilespmem:s17+$0x30]  }
0x42: {  	v1 =	vld [tilespmem:s17+$0xFFFFFFD0]  }
0x43: {  	s16 =	sshrl.u32 s16, $0x2;
	v5 =	vld [tilespmem:s17+$0xFFFFFFE0]  }
0x44: {  	v6 =	vld [tilespmem:s17+$0xFFFFFFF0];
	s19 =	sor.u32 $0x8000, s16  }
0x45: {  	s31 =	sand.u32 $0x1, s13;
	v4 =	vld [tilespmem:s17+$0x0];
	s18 =	sadd.s32 $0x0, s19  }
0x46: {  	v3 =	vld [tilespmem:s17+$0x10];
	s16 =	smul.u32 $0x10200, s31;
	[tilespmem:s18+$0x3870 ss:$0x81] =	vst.msk $0xffff, v0  }
0x47: {  	v2 =	vld [tilespmem:s17+$0x20];
	[tilespmem:s18+$0x810 ss:$0x81] =	vst.msk $0xffff, v1  }
0x48: {  	s16 =	sshrl.u32 s16, $0x2;
	v1 =	vld [tilespmem:s17+$0xFFFFFFC0];
	[tilespmem:s18+$0x1020 ss:$0x81] =	vst.msk $0xffff, v5;
	s17 =	sadd.s32 $0x80, s17  }
0x49: {  	s20 =	simm.s32 $0x4;
	s21 =	simm.s32 $0x8;
	s16 =	sor.u32 $0x8000, s16;
	[tilespmem:s18+$0x1830 ss:$0x81] =	vst.msk $0xffff, v6;
	v0 =	vld [tilespmem:s17+$0x30]  }
.LBB1_3:
0x4a: {  	p1 =	sne.s32 s21, $0x1FC;
	v5 =	vld [tilespmem:s17+$0xFFFFFFD0];
	[tilespmem:s18+$0x2040 ss:$0x81] =	vst.msk $0xffff, v4  }
0x4b: {  	v6 =	vld [tilespmem:s17+$0xFFFFFFE0];
	[tilespmem:s18+$0x2850 ss:$0x81] =	vst.msk $0xffff, v3  }
0x4c: {  	s22 =	sshra.s32 s20, $0x2;
	s20 =	smov.u32 s21;
	v7 =	vld [tilespmem:s17+$0xFFFFFFF0];
	[tilespmem:s18+$0x3060 ss:$0x81] =	vst.msk $0xffff, v2  }
.Ltmp3:
0x4d: {  	v4 =	vld [tilespmem:s17+$0x0];
	[tilespmem:s18+$0x0 ss:$0x81] =	vst.msk $0xffff, v1;
	s18 =	sadd.s32 s22, s19;
	(pc) =	sbr.rel @p1 .LBB1_3-.Ltmp3, $4  }
0x4e: {  	v3 =	vld [tilespmem:s17+$0x10];
	[tilespmem:s18+$0x3870 ss:$0x81] =	vst.msk $0xffff, v0  }
0x4f: {  	[tilespmem:s18+$0x810 ss:$0x81] =	vst.msk $0xffff, v5;
	v2 =	vld [tilespmem:s17+$0x20]  }
0x50: {  	v1 =	vld [tilespmem:s17+$0xFFFFFFC0];
	[tilespmem:s18+$0x1020 ss:$0x81] =	vst.msk $0xffff, v6;
	s17 =	sadd.s32 $0x80, s17  }
0x51: {  	s21 =	sadd.s32 $0x4, s21;
	v0 =	vld [tilespmem:s17+$0x30];
	[tilespmem:s18+$0x1830 ss:$0x81] =	vst.msk $0xffff, v7  }
.Ltmp4:
0x52: {  	_ = 	snop;
	(pc) =	sbr.rel .LBB1_4-.Ltmp4, $1  }
0x53: {  	_ =	sdelay $0x3  }
.LBB1_6:
0x54: {  	_ =	sfence.sel $0x180000  }
0x55: {  	s2 =	simm.s32 $0x1;
	[bflag:$0x0] =	sbarrier.arrive $0xFFFF  }
0x56: {  	s31 =	simm.s32 $0x2;
	[sflag:s2] =	ssyncpa.u1 $0x1  }
0x57: {  	[sflag:s31] =	ssyncpa.u1 $0x1  }
0x58: {  	p0 =	sne.s32 s0, $0x0;
	_ =	strace $0x9000004A  }
0x59: {  	s0 =	sadd.s32 @!p0 $0x100000, s1;
	[bflag:$0x2] =	sbarrier.arrive $0xFFFF  }
0x5a: {  	[sflag:s0] =	ssyncadd.tile.s32 @!p0 $0x1;
	_ =	shalt  }
.Lfunc_end1:
_tile_overlayer_lowered:
.L_overlay_start_2:
0x5b: {  	(tag) =	ssettag $0x2  }
0x5c: {  	s0 =	rddreg [dreg:$0x0];
	s2 =	stileid.u32  }
0x5d: {  	s1 =	rddreg [dreg:$0x1];
	p0 =	sne.s32 s2, $0x0  }
0x5e: {  	s3 =	rddreg [dreg:$0x2];
	[bflag:$0x3] =	sbarrier.arrive $0xFFFF;
	s2 =	simm.s32 @!p0 $0x1C01  }
0x5f: {  	[timem:s3], [sflag:s2] =	dma.local @!p0 [hbm:s0], s1  }
0x60: {  	s0 =	simm.s32 @!p0 $0x1  }
0x61: {  	_ =	swait.ge @!p0 [sflag:s0], s1  }
0x62: {  	s1 =	ssub.s32 @!p0 $0x0, s1;
	[sflag:s0] =	ssyncset.done @!p0 $0x0  }
0x63: {  	[sflag:s0] =	ssyncadd.s32 @!p0 s1  }
0x64: {  	[bflag:$0x3] =	sbarrier.arrive $0xFFFF  }
0x65: {  	_ =	shalt  }

</sc_bundles>
